<compile_context>
chip_gen: v7x
topology: tpu7x:2x2x1
jax: 0.10.2.dev20260603
libtpu: 0.0.44.dev20260713+nightly
codegen_flags: <defaults>
</compile_context>

<pallas_src>
import functools
import math

import numpy as np
import jax
import jax.numpy as jnp
from jax import lax
from jax.experimental import pallas as pl
from jax.experimental.pallas import tpu as pltpu
from jax.experimental.pallas import tpu_sc as plsc

B, L, H, D = 1, 2048, 12, 64
S = 2048
U = min(5 * math.ceil(math.log(L)), S)
PADU = 48
SCALE = (1.0 / 0.24) * math.log(S)
SCHUNK = 512
NW = 32
ROWS_W = (L * H) // NW
BIG = 10 ** 6


def _build_count_matrix_t():
    try:
        cpu = jax.local_devices(backend="cpu")[0]
        with jax.default_device(cpu):
            idx = jax.random.randint(jax.random.key(42), (B, H, L, U), 0, S)
            idx_np = np.asarray(idx)
    except Exception:
        return None
    counts = np.zeros((H, S, L), dtype=np.int8)
    hh = np.repeat(np.arange(H), L * U)
    ll = np.tile(np.repeat(np.arange(L), U), H)
    np.add.at(counts, (hh, idx_np[0].ravel(), ll), 1)
    return counts


_COUNTS_T = _build_count_matrix_t()


def _count_matrix_t():
    if _COUNTS_T is not None:
        return jnp.asarray(_COUNTS_T)
    idx = jax.random.randint(jax.random.key(42), (B, H, L, U), 0, S)[0]
    hh = jnp.arange(H)[:, None, None] * jnp.ones((1, L, U), jnp.int32)
    ll = jnp.arange(L)[None, :, None] * jnp.ones((H, 1, U), jnp.int32)
    return (jnp.zeros((H, S, L), jnp.int8)
            .at[hh.astype(jnp.int32), idx, ll.astype(jnp.int32)].add(1))


def _score_kernel(q_ref, k_ref, c_ref, o_ref):
    q = q_ref[0]
    k = k_ref[0]
    qc = q - jnp.mean(q, axis=1, keepdims=True)
    qn = jnp.sqrt(jnp.sum(qc * qc, axis=1, keepdims=True))
    qh1 = qc / jnp.maximum(qn, 1e-12)
    kc = k - jnp.mean(k, axis=1, keepdims=True)
    kn = jnp.sqrt(jnp.sum(kc * kc, axis=1, keepdims=True))
    kh1 = kc / jnp.maximum(kn, 1e-12)

    def dot_chunk(j):
        kj = kh1[j * SCHUNK:(j + 1) * SCHUNK, :]
        return lax.dot_general(
            kj, qh1, (((1,), (1,)), ((), ())),
            preferred_element_type=jnp.float32,
            precision=lax.Precision.HIGHEST)

    def weigh(j, pj):
        cj = c_ref[0, j * SCHUNK:(j + 1) * SCHUNK, :].astype(jnp.float32)
        return jnp.sum(jnp.abs(pj) * cj, axis=0, keepdims=True)

    acc = jnp.zeros((1, L), jnp.float32)
    p_prev = dot_chunk(0)
    for j in range(1, S // SCHUNK):
        p_cur = dot_chunk(j)
        acc = acc + weigh(j - 1, p_prev)
        p_prev = p_cur
    o_ref[0] = acc + weigh(S // SCHUNK - 1, p_prev)


def _attn_kernel(mtop_ref, q_ref, k_ref, v_ref, vsel_ref):
    q = q_ref[0]
    k = k_ref[0]
    v = v_ref[0]
    mrow = mtop_ref[0].astype(jnp.float32)
    eye = (lax.broadcasted_iota(jnp.int32, (PADU, PADU), 0) ==
           lax.broadcasted_iota(jnp.int32, (PADU, PADU), 1)).astype(jnp.float32)
    mcol = lax.dot_general(
        eye, mrow, (((1,), (1,)), ((), ())),
        preferred_element_type=jnp.float32,
        precision=lax.Precision.HIGHEST)
    onehot = (lax.broadcasted_iota(jnp.int32, (PADU, L), 1) ==
              mcol.astype(jnp.int32)).astype(jnp.float32)
    qr = lax.dot_general(
        onehot, q, (((1,), (0,)), ((), ())),
        preferred_element_type=jnp.float32,
        precision=lax.Precision.HIGHEST)
    qrn = jnp.sqrt(jnp.sum(qr * qr, axis=1, keepdims=True))
    qhat = qr / jnp.maximum(qrn, 1e-12)
    k2n = jnp.sqrt(jnp.sum(k * k, axis=1, keepdims=True))
    khat = k / jnp.maximum(k2n, 1e-12)
    sc = lax.dot_general(
        qhat, khat, (((1,), (1,)), ((), ())),
        preferred_element_type=jnp.float32,
        precision=lax.Precision.HIGHEST) * SCALE
    m = jnp.max(sc, axis=1, keepdims=True)
    e = jnp.exp(sc - m)
    a = e / jnp.sum(e, axis=1, keepdims=True)
    vsel_ref[0] = lax.dot_general(
        a, v, (((1,), (0,)), ((), ())),
        preferred_element_type=jnp.float32,
        precision=lax.Precision.HIGHEST)


_SC_CACHE = {}


def _sc_kernels():
    if "topk" in _SC_CACHE:
        return _SC_CACHE["topk"], _SC_CACHE["scatter"]
    _sc_mesh = plsc.VectorSubcoreMesh(core_axis_name="c", subcore_axis_name="s")
    _SC_CACHE["topk"] = _make_sc_topk(_sc_mesh)
    _SC_CACHE["scatter"] = _make_sc_scatter(_sc_mesh)
    return _SC_CACHE["topk"], _SC_CACHE["scatter"]


def _make_sc_topk(_sc_mesh):
    return functools.partial(
        pl.kernel,
        mesh=_sc_mesh,
        out_type=jax.ShapeDtypeStruct((H, PADU), jnp.int32),
        scratch_types=[
            pltpu.VMEM((L,), jnp.float32),
            pltpu.VMEM((PADU,), jnp.int32),
            pltpu.VMEM((32,), jnp.float32),
            pltpu.VMEM((32,), jnp.int32),
        ],
    )(_sc_topk_body)


def _sc_topk_body(scores_hbm, mtop_hbm, srow, sel, rbuf, ibuf):
    wid = lax.axis_index("s") * 2 + lax.axis_index("c")

    @pl.when(wid < H)
    def _():
        h = wid
        pltpu.sync_copy(scores_hbm.at[h], srow)
        lanes = lax.broadcasted_iota(jnp.int32, (16,), 0)
        rbuf[pl.ds(16, 16)] = jnp.full((16,), -3.0, jnp.float32)
        ibuf[pl.ds(16, 16)] = jnp.full((16,), BIG, jnp.int32)
        for t in range(PADU // 16):
            sel[pl.ds(t * 16, 16)] = jnp.full((16,), BIG, jnp.int32)

        def ext(e, _):
            def scan(j, carry):
                best, bidx = carry
                v = srow[pl.ds(j * 16, 16)]
                upd = v > best
                best = jnp.where(upd, v, best)
                bidx = jnp.where(upd, j * 16 + lanes, bidx)
                return best, bidx

            best, bidx = lax.fori_loop(
                0, L // 16, scan,
                (jnp.full((16,), -2.0, jnp.float32),
                 jnp.zeros((16,), jnp.int32)), unroll=4)
            mv = best
            for sh in (8, 4, 2, 1):
                rbuf[pl.ds(0, 16)] = mv
                mv = jnp.maximum(mv, rbuf[pl.ds(sh, 16)])
            m = mv[0]
            cand = jnp.where(best == m, bidx, jnp.full((16,), BIG, jnp.int32))
            for sh in (8, 4, 2, 1):
                ibuf[pl.ds(0, 16)] = cand
                cand = jnp.minimum(cand, ibuf[pl.ds(sh, 16)])
            idx = cand[0]
            ib = jnp.bitwise_and(idx, -16)
            hit = lanes == (idx - ib)
            srow[pl.ds(ib, 16)] = jnp.where(
                hit, -1.0, srow[pl.ds(ib, 16)])
            eb = jnp.bitwise_and(e, -16)
            ehit = lanes == (e - eb)
            sel[pl.ds(eb, 16)] = jnp.where(ehit, idx, sel[pl.ds(eb, 16)])
            return 0

        lax.fori_loop(0, U, ext, 0)
        pltpu.sync_copy(sel, mtop_hbm.at[h])


def _make_sc_scatter(_sc_mesh):
    return functools.partial(
        pl.kernel,
        mesh=_sc_mesh,
        out_type=jax.ShapeDtypeStruct((L * H * D,), jnp.float32),
        scratch_types=[
            pltpu.VMEM((ROWS_W * D,), jnp.float32),
            pltpu.VMEM((H * PADU * D,), jnp.float32),
            pltpu.VMEM((H * PADU,), jnp.int32),
        ],
    )(_sc_scatter_body)


def _sc_scatter_body(vsel_hbm, mtop_hbm, out_hbm, slab, vrows, idxs):
    wid = lax.axis_index("s") * 2 + lax.axis_index("c")
    base = wid * ROWS_W
    pltpu.sync_copy(mtop_hbm, idxs)
    pltpu.sync_copy(vsel_hbm, vrows)

    zeros16 = jnp.zeros((16,), jnp.float32)

    def zbody(i, _):
        slab[pl.ds(i * 16, 16)] = zeros16
        return 0

    lax.fori_loop(0, (ROWS_W * D) // 16, zbody, 0)

    for hh in range(H):
        def sbody(i, _):
            m = idxs[pl.ds(hh * PADU + i, 16)][0]
            row = m * H + hh

            @pl.when((row >= base) & (row < base + ROWS_W))
            def _():
                dst = (row - base) * D
                src = (hh * PADU + i) * D
                for c4 in range(D // 16):
                    slab[pl.ds(dst + c4 * 16, 16)] = (
                        vrows[pl.ds(src + c4 * 16, 16)])

            return 0

        lax.fori_loop(0, U, sbody, 0)

    pltpu.sync_copy(slab, out_hbm.at[pl.ds(base * D, ROWS_W * D)])


def kernel(queries, keys, values):
    _sc_topk, _sc_scatter = _sc_kernels()
    counts_t = _count_matrix_t()
    qh = jnp.transpose(queries, (0, 2, 1, 3))[0]
    kh = jnp.transpose(keys, (0, 2, 1, 3))[0]
    vh = jnp.transpose(values, (0, 2, 1, 3))[0]

    scores = pl.pallas_call(
        _score_kernel,
        grid=(H,),
        in_specs=[
            pl.BlockSpec((1, L, D), lambda h: (h, 0, 0)),
            pl.BlockSpec((1, S, D), lambda h: (h, 0, 0)),
            pl.BlockSpec((1, S, L), lambda h: (h, 0, 0)),
        ],
        out_specs=pl.BlockSpec((1, 1, L), lambda h: (h, 0, 0)),
        out_shape=jax.ShapeDtypeStruct((H, 1, L), jnp.float32),
    )(qh, kh, counts_t)

    mtop = _sc_topk(scores.reshape(H, L))

    vsel = pl.pallas_call(
        _attn_kernel,
        grid=(H,),
        in_specs=[
            pl.BlockSpec((1, 1, PADU), lambda h: (h, 0, 0)),
            pl.BlockSpec((1, L, D), lambda h: (h, 0, 0)),
            pl.BlockSpec((1, L, D), lambda h: (h, 0, 0)),
            pl.BlockSpec((1, L, D), lambda h: (h, 0, 0)),
        ],
        out_specs=pl.BlockSpec((1, PADU, D), lambda h: (h, 0, 0)),
        out_shape=jax.ShapeDtypeStruct((H, PADU, D), jnp.float32),
    )(mtop.reshape(H, 1, PADU), qh, kh, vh)

    out_flat = _sc_scatter(vsel.reshape(H * PADU * D), mtop.reshape(H * PADU))
    return out_flat.reshape(B, L, H, D)

# --- scband reference (transcript-rebuilt; emitter-appended) ---
"""Pipeline reference for scband-prob-attention-4011499454602 (READ-ONLY COPY).

The authoritative reference and input builder live on the scoring server;
editing this copy changes nothing except your own understanding.
"""

import jax, jax.numpy as jnp
import numpy as np
import math


def setup_inputs(seed: int = 0) -> dict:
    key = jax.random.key(seed)
    k1, k2, k3 = jax.random.split(key, 3)
    B, L, H, D = 1, 2048, 12, 64
    S = 2048
    queries = jax.random.normal(k1, (B, L, H, D), dtype=jnp.float32)
    keys = jax.random.normal(k2, (B, S, H, D), dtype=jnp.float32)
    values = jax.random.normal(k3, (B, S, H, D), dtype=jnp.float32)
    return {"queries": queries, "keys": keys, "values": values}


def _l2norm(x):
    n = jnp.linalg.norm(x, axis=-1, keepdims=True)
    return x / jnp.maximum(n, 1e-12)


def reference(queries, keys, values):
    B, L, H, D = queries.shape
    S = keys.shape[1]
    factor = 5
    U = min(factor * math.ceil(math.log(L)), S)
    Q = jnp.transpose(queries, (0, 2, 1, 3))  # [B,H,L,D]
    K = jnp.transpose(keys, (0, 2, 1, 3))     # [B,H,S,D]
    V = jnp.transpose(values, (0, 2, 1, 3))   # [B,H,S,D]
    # random key sampling (fixed key for determinism)
    index_sample = jax.random.randint(jax.random.key(42), (B, H, L, U), 0, S)
    b4 = jnp.arange(B)[:, None, None, None]
    h4 = jnp.arange(H)[None, :, None, None]
    K_rand = K[b4, h4, index_sample]  # [B,H,L,U,D]
    # NPCC score between each query and its sampled keys
    Q0 = Q - Q.mean(axis=-1, keepdims=True)
    K0 = K_rand - K_rand.mean(axis=-1, keepdims=True)
    cov = (Q0[:, :, :, None, :] * K0).sum(axis=-1)  # [B,H,L,U]
    normQ = jnp.linalg.norm(Q0, axis=-1, keepdims=True)  # [B,H,L,1]
    normK = jnp.linalg.norm(K0, axis=-1)                 # [B,H,L,U]
    denom = normQ * normK + 1e-08
    scores_top = jnp.abs(cov / denom)
    M_top = jax.lax.top_k(scores_top.mean(axis=-1), U)[1]  # [B,H,U]
    b3 = jnp.arange(B)[:, None, None]
    h3 = jnp.arange(H)[None, :, None]
    Q_reduce = Q[b3, h3, M_top]  # [B,H,U,D]
    Q_norm = _l2norm(Q_reduce)
    K_normed = _l2norm(K)
    scores = jnp.einsum('bhmd,bhsd->bhms', Q_norm, K_normed)
    tau = 1.0 / 0.24
    scores = scores * (tau * math.log(S))
    A = jax.nn.softmax(scores, axis=-1)  # dropout p=0.0
    V_selected = jnp.einsum('bhms,bhsd->bhmd', A, V)  # [B,H,U,D]
    out = jnp.zeros((B, H, L, D), dtype=queries.dtype).at[b3, h3, M_top].set(V_selected)
    out = jnp.transpose(out, (0, 2, 1, 3))  # [B,L,H,D]
    return out

if __name__ == "__main__":
    import jax
    _d = setup_inputs()
    print(jax.jit(kernel)(*tuple(_d.values())))

</pallas_src>

<mosaic_0001>
#map = affine_map<(d0, d1) -> (0)>
module attributes {stable_mosaic.version = 14 : i64} {
  func.func @_sc_scatter_body(%arg0: i32, %arg1: i32, %arg2: memref<36864xf32, #tpu.memory_space<hbm>>, %arg3: memref<576xi32, #tpu.memory_space<hbm>>, %arg4: memref<1572864xf32, #tpu.memory_space<hbm>>, %arg5: memref<49152xf32, #tpu.memory_space<vmem>>, %arg6: memref<36864xf32, #tpu.memory_space<vmem>>, %arg7: memref<576xi32, #tpu.memory_space<vmem>>) attributes {dimension_semantics = [#tpu.dimension_semantics<core_parallel>, #tpu.dimension_semantics<subcore_parallel>], iteration_bounds = array<i64: 2, 16>, scalar_prefetch = 0 : i64, scratch_operands = 3 : i64, tpu.core_type = #tpu.core_type<sc_vector_subcore>, window_params = [{transform_indices = #map}, {transform_indices = #map}, {transform_indices = #map}]} {
    %mul3A = arith.constant 2 : i32
    %mul3A_0 = arith.muli %arg1, %mul3A : i32
    %add3A = arith.addi %mul3A_0, %arg0 : i32
    %mul3A_1 = arith.constant 768 : i32
    %mul3A_2 = arith.muli %add3A, %mul3A_1 : i32
    "tpu.region"() ({
      %run_scoped3A = tpu.sem_alloc : memref<!tpu.dma_semaphore, #tpu.memory_space<semaphore_mem>>
      tpu.enqueue_dma source(%arg3 : memref<576xi32, #tpu.memory_space<hbm>>) target(%arg7 : memref<576xi32, #tpu.memory_space<vmem>>) target_semaphore(%run_scoped3A : memref<!tpu.dma_semaphore, #tpu.memory_space<semaphore_mem>>)
      tpu.wait_dma2 semaphore(%run_scoped3A : memref<!tpu.dma_semaphore, #tpu.memory_space<semaphore_mem>>) src(%arg3 : memref<576xi32, #tpu.memory_space<hbm>>) dst(%arg7 : memref<576xi32, #tpu.memory_space<vmem>>)
      tpu.yield
    }) : () -> ()
    "tpu.region"() ({
      %run_scoped3A = tpu.sem_alloc : memref<!tpu.dma_semaphore, #tpu.memory_space<semaphore_mem>>
      tpu.enqueue_dma source(%arg2 : memref<36864xf32, #tpu.memory_space<hbm>>) target(%arg6 : memref<36864xf32, #tpu.memory_space<vmem>>) target_semaphore(%run_scoped3A : memref<!tpu.dma_semaphore, #tpu.memory_space<semaphore_mem>>)
      tpu.wait_dma2 semaphore(%run_scoped3A : memref<!tpu.dma_semaphore, #tpu.memory_space<semaphore_mem>>) src(%arg2 : memref<36864xf32, #tpu.memory_space<hbm>>) dst(%arg6 : memref<36864xf32, #tpu.memory_space<vmem>>)
      tpu.yield
    }) : () -> ()
    %broadcast_in_dim3A = arith.constant 0.000000e+00 : f32
    %broadcast_in_dim3A_3 = vector.broadcast %broadcast_in_dim3A : f32 to vector<16xf32>
    %scan3A = arith.constant 0 : i32
    %scan3A_4 = arith.constant 0 : i32
    %scan3A_5 = arith.constant 3072 : i32
    %scan3A_6 = arith.addi %scan3A_4, %scan3A_5 : i32
    %scan3A_7 = arith.constant 1 : i32
    %scan3A_8 = scf.for %scan3A_96 = %scan3A_4 to %scan3A_6 step %scan3A_7 iter_args(%scan3A_97 = %scan3A) -> (i32)  : i32 {
      %mul3A_98 = arith.constant 16 : i32
      %mul3A_99 = arith.muli %scan3A_96, %mul3A_98 : i32
      %swap3A = arith.index_cast %mul3A_99 : i32 to index
      %swap3A_100 = tpu.vector_load %arg5[%swap3A] {strides = array<i32>} : memref<49152xf32, #tpu.memory_space<vmem>>, vector<16xf32>,
      %swap3A_101 = vector.shape_cast %swap3A_100 : vector<16xf32> to vector<16xf32>
      %swap3A_102 = vector.shape_cast %broadcast_in_dim3A_3 : vector<16xf32> to vector<16xf32>
      tpu.vector_store %arg5[%swap3A], %swap3A_102 {strides = array<i32>} : memref<49152xf32, #tpu.memory_space<vmem>>, vector<16xf32>,
      %scan3A_103 = arith.constant 0 : i32
      scf.yield %scan3A_103 : i32
    }
    %scan3A_9 = arith.constant 3072 : i32
    %scan3A_10 = arith.constant 0 : i32
    %scan3A_11 = arith.constant 0 : i32
    %scan3A_12 = arith.constant 40 : i32
    %scan3A_13 = arith.addi %scan3A_11, %scan3A_12 : i32
    %scan3A_14 = arith.constant 1 : i32
    %scan3A_15 = scf.for %scan3A_96 = %scan3A_11 to %scan3A_13 step %scan3A_14 iter_args(%scan3A_97 = %scan3A_10) -> (i32)  : i32 {
      %add3A_98 = arith.constant 0 : i32
      %add3A_99 = arith.addi %add3A_98, %scan3A_96 : i32
      %get3A = arith.index_cast %add3A_99 : i32 to index
      %get3A_100 = tpu.vector_load %arg7[%get3A] {strides = array<i32>} : memref<576xi32, #tpu.memory_space<vmem>>, vector<16xi32>,
      %get3A_101 = vector.shape_cast %get3A_100 : vector<16xi32> to vector<16xi32>
      %slice3A = vector.extract_strided_slice %get3A_101 {offsets = [0], sizes = [1], strides = [1]} : vector<16xi32> to vector<1xi32>
      %squeeze3A = vector.extract %slice3A[0] : i32 from vector<1xi32>
      %mul3A_102 = arith.constant 12 : i32
      %mul3A_103 = arith.muli %squeeze3A, %mul3A_102 : i32
      %add3A_104 = arith.constant 0 : i32
      %add3A_105 = arith.addi %mul3A_103, %add3A_104 : i32
      %ge3A = arith.cmpi sge, %add3A_105, %mul3A_2 : i32
      %add3A_106 = arith.constant 768 : i32
      %add3A_107 = arith.addi %mul3A_2, %add3A_106 : i32
      %lt3A = arith.cmpi slt, %add3A_105, %add3A_107 : i32
      %and3A = arith.andi %ge3A, %lt3A : i1
      %convert_element_type3A = arith.extui %and3A : i1 to i32
      %cond3A = arith.constant 0 : i32
      %cond3A_108 = arith.cmpi ne, %convert_element_type3A, %cond3A : i32
      scf.if %cond3A_108 {
        %sub3A = arith.subi %add3A_105, %mul3A_2 : i32
        %mul3A_110 = arith.constant 64 : i32
        %mul3A_111 = arith.muli %sub3A, %mul3A_110 : i32
        %add3A_112 = arith.constant 0 : i32
        %add3A_113 = arith.addi %add3A_112, %scan3A_96 : i32
        %mul3A_114 = arith.constant 64 : i32
        %mul3A_115 = arith.muli %add3A_113, %mul3A_114 : i32
        %add3A_116 = arith.constant 0 : i32
        %add3A_117 = arith.addi %mul3A_115, %add3A_116 : i32
        %get3A_118 = arith.index_cast %add3A_117 : i32 to index
        %get3A_119 = tpu.vector_load %arg6[%get3A_118] {strides = array<i32>} : memref<36864xf32, #tpu.memory_space<vmem>>, vector<16xf32>,
        %get3A_120 = vector.shape_cast %get3A_119 : vector<16xf32> to vector<16xf32>
        %add3A_121 = arith.constant 0 : i32
        %add3A_122 = arith.addi %mul3A_111, %add3A_121 : i32
        %swap3A = arith.index_cast %add3A_122 : i32 to index
        %swap3A_123 = tpu.vector_load %arg5[%swap3A] {strides = array<i32>} : memref<49152xf32, #tpu.memory_space<vmem>>, vector<16xf32>,
        %swap3A_124 = vector.shape_cast %swap3A_123 : vector<16xf32> to vector<16xf32>
        %swap3A_125 = vector.shape_cast %get3A_120 : vector<16xf32> to vector<16xf32>
        tpu.vector_store %arg5[%swap3A], %swap3A_125 {strides = array<i32>} : memref<49152xf32, #tpu.memory_space<vmem>>, vector<16xf32>,
        %add3A_126 = arith.constant 16 : i32
        %add3A_127 = arith.addi %mul3A_115, %add3A_126 : i32
        %get3A_128 = arith.index_cast %add3A_127 : i32 to index
        %get3A_129 = tpu.vector_load %arg6[%get3A_128] {strides = array<i32>} : memref<36864xf32, #tpu.memory_space<vmem>>, vector<16xf32>,
        %get3A_130 = vector.shape_cast %get3A_129 : vector<16xf32> to vector<16xf32>
        %add3A_131 = arith.constant 16 : i32
        %add3A_132 = arith.addi %mul3A_111, %add3A_131 : i32
        %swap3A_133 = arith.index_cast %add3A_132 : i32 to index
        %swap3A_134 = tpu.vector_load %arg5[%swap3A_133] {strides = array<i32>} : memref<49152xf32, #tpu.memory_space<vmem>>, vector<16xf32>,
        %swap3A_135 = vector.shape_cast %swap3A_134 : vector<16xf32> to vector<16xf32>
        %swap3A_136 = vector.shape_cast %get3A_130 : vector<16xf32> to vector<16xf32>
        tpu.vector_store %arg5[%swap3A_133], %swap3A_136 {strides = array<i32>} : memref<49152xf32, #tpu.memory_space<vmem>>, vector<16xf32>,
        %add3A_137 = arith.constant 32 : i32
        %add3A_138 = arith.addi %mul3A_115, %add3A_137 : i32
        %get3A_139 = arith.index_cast %add3A_138 : i32 to index
        %get3A_140 = tpu.vector_load %arg6[%get3A_139] {strides = array<i32>} : memref<36864xf32, #tpu.memory_space<vmem>>, vector<16xf32>,
        %get3A_141 = vector.shape_cast %get3A_140 : vector<16xf32> to vector<16xf32>
        %add3A_142 = arith.constant 32 : i32
        %add3A_143 = arith.addi %mul3A_111, %add3A_142 : i32
        %swap3A_144 = arith.index_cast %add3A_143 : i32 to index
        %swap3A_145 = tpu.vector_load %arg5[%swap3A_144] {strides = array<i32>} : memref<49152xf32, #tpu.memory_space<vmem>>, vector<16xf32>,
        %swap3A_146 = vector.shape_cast %swap3A_145 : vector<16xf32> to vector<16xf32>
        %swap3A_147 = vector.shape_cast %get3A_141 : vector<16xf32> to vector<16xf32>
        tpu.vector_store %arg5[%swap3A_144], %swap3A_147 {strides = array<i32>} : memref<49152xf32, #tpu.memory_space<vmem>>, vector<16xf32>,
        %add3A_148 = arith.constant 48 : i32
        %add3A_149 = arith.addi %mul3A_115, %add3A_148 : i32
        %get3A_150 = arith.index_cast %add3A_149 : i32 to index
        %get3A_151 = tpu.vector_load %arg6[%get3A_150] {strides = array<i32>} : memref<36864xf32, #tpu.memory_space<vmem>>, vector<16xf32>,
        %get3A_152 = vector.shape_cast %get3A_151 : vector<16xf32> to vector<16xf32>
        %add3A_153 = arith.constant 48 : i32
        %add3A_154 = arith.addi %mul3A_111, %add3A_153 : i32
        %swap3A_155 = arith.index_cast %add3A_154 : i32 to index
        %swap3A_156 = tpu.vector_load %arg5[%swap3A_155] {strides = array<i32>} : memref<49152xf32, #tpu.memory_space<vmem>>, vector<16xf32>,
        %swap3A_157 = vector.shape_cast %swap3A_156 : vector<16xf32> to vector<16xf32>
        %swap3A_158 = vector.shape_cast %get3A_152 : vector<16xf32> to vector<16xf32>
        tpu.vector_store %arg5[%swap3A_155], %swap3A_158 {strides = array<i32>} : memref<49152xf32, #tpu.memory_space<vmem>>, vector<16xf32>,
      } else {
      }
      %scan3A_109 = arith.constant 0 : i32
      scf.yield %scan3A_109 : i32
    }
    %scan3A_16 = arith.constant 40 : i32
    %scan3A_17 = arith.constant 0 : i32
    %scan3A_18 = arith.constant 0 : i32
    %scan3A_19 = arith.constant 40 : i32
    %scan3A_20 = arith.addi %scan3A_18, %scan3A_19 : i32
    %scan3A_21 = arith.constant 1 : i32
    %scan3A_22 = scf.for %scan3A_96 = %scan3A_18 to %scan3A_20 step %scan3A_21 iter_args(%scan3A_97 = %scan3A_17) -> (i32)  : i32 {
      %add3A_98 = arith.constant 48 : i32
      %add3A_99 = arith.addi %add3A_98, %scan3A_96 : i32
      %get3A = arith.index_cast %add3A_99 : i32 to index
      %get3A_100 = tpu.vector_load %arg7[%get3A] {strides = array<i32>} : memref<576xi32, #tpu.memory_space<vmem>>, vector<16xi32>,
      %get3A_101 = vector.shape_cast %get3A_100 : vector<16xi32> to vector<16xi32>
      %slice3A = vector.extract_strided_slice %get3A_101 {offsets = [0], sizes = [1], strides = [1]} : vector<16xi32> to vector<1xi32>
      %squeeze3A = vector.extract %slice3A[0] : i32 from vector<1xi32>
      %mul3A_102 = arith.constant 12 : i32
      %mul3A_103 = arith.muli %squeeze3A, %mul3A_102 : i32
      %add3A_104 = arith.constant 1 : i32
      %add3A_105 = arith.addi %mul3A_103, %add3A_104 : i32
      %ge3A = arith.cmpi sge, %add3A_105, %mul3A_2 : i32
      %add3A_106 = arith.constant 768 : i32
      %add3A_107 = arith.addi %mul3A_2, %add3A_106 : i32
      %lt3A = arith.cmpi slt, %add3A_105, %add3A_107 : i32
      %and3A = arith.andi %ge3A, %lt3A : i1
      %convert_element_type3A = arith.extui %and3A : i1 to i32
      %cond3A = arith.constant 0 : i32
      %cond3A_108 = arith.cmpi ne, %convert_element_type3A, %cond3A : i32
      scf.if %cond3A_108 {
        %sub3A = arith.subi %add3A_105, %mul3A_2 : i32
        %mul3A_110 = arith.constant 64 : i32
        %mul3A_111 = arith.muli %sub3A, %mul3A_110 : i32
        %add3A_112 = arith.constant 48 : i32
        %add3A_113 = arith.addi %add3A_112, %scan3A_96 : i32
        %mul3A_114 = arith.constant 64 : i32
        %mul3A_115 = arith.muli %add3A_113, %mul3A_114 : i32
        %add3A_116 = arith.constant 0 : i32
        %add3A_117 = arith.addi %mul3A_115, %add3A_116 : i32
        %get3A_118 = arith.index_cast %add3A_117 : i32 to index
        %get3A_119 = tpu.vector_load %arg6[%get3A_118] {strides = array<i32>} : memref<36864xf32, #tpu.memory_space<vmem>>, vector<16xf32>,
        %get3A_120 = vector.shape_cast %get3A_119 : vector<16xf32> to vector<16xf32>
        %add3A_121 = arith.constant 0 : i32
        %add3A_122 = arith.addi %mul3A_111, %add3A_121 : i32
        %swap3A = arith.index_cast %add3A_122 : i32 to index
        %swap3A_123 = tpu.vector_load %arg5[%swap3A] {strides = array<i32>} : memref<49152xf32, #tpu.memory_space<vmem>>, vector<16xf32>,
        %swap3A_124 = vector.shape_cast %swap3A_123 : vector<16xf32> to vector<16xf32>
        %swap3A_125 = vector.shape_cast %get3A_120 : vector<16xf32> to vector<16xf32>
        tpu.vector_store %arg5[%swap3A], %swap3A_125 {strides = array<i32>} : memref<49152xf32, #tpu.memory_space<vmem>>, vector<16xf32>,
        %add3A_126 = arith.constant 16 : i32
        %add3A_127 = arith.addi %mul3A_115, %add3A_126 : i32
        %get3A_128 = arith.index_cast %add3A_127 : i32 to index
        %get3A_129 = tpu.vector_load %arg6[%get3A_128] {strides = array<i32>} : memref<36864xf32, #tpu.memory_space<vmem>>, vector<16xf32>,
        %get3A_130 = vector.shape_cast %get3A_129 : vector<16xf32> to vector<16xf32>
        %add3A_131 = arith.constant 16 : i32
        %add3A_132 = arith.addi %mul3A_111, %add3A_131 : i32
        %swap3A_133 = arith.index_cast %add3A_132 : i32 to index
        %swap3A_134 = tpu.vector_load %arg5[%swap3A_133] {strides = array<i32>} : memref<49152xf32, #tpu.memory_space<vmem>>, vector<16xf32>,
        %swap3A_135 = vector.shape_cast %swap3A_134 : vector<16xf32> to vector<16xf32>
        %swap3A_136 = vector.shape_cast %get3A_130 : vector<16xf32> to vector<16xf32>
        tpu.vector_store %arg5[%swap3A_133], %swap3A_136 {strides = array<i32>} : memref<49152xf32, #tpu.memory_space<vmem>>, vector<16xf32>,
        %add3A_137 = arith.constant 32 : i32
        %add3A_138 = arith.addi %mul3A_115, %add3A_137 : i32
        %get3A_139 = arith.index_cast %add3A_138 : i32 to index
        %get3A_140 = tpu.vector_load %arg6[%get3A_139] {strides = array<i32>} : memref<36864xf32, #tpu.memory_space<vmem>>, vector<16xf32>,
        %get3A_141 = vector.shape_cast %get3A_140 : vector<16xf32> to vector<16xf32>
        %add3A_142 = arith.constant 32 : i32
        %add3A_143 = arith.addi %mul3A_111, %add3A_142 : i32
        %swap3A_144 = arith.index_cast %add3A_143 : i32 to index
        %swap3A_145 = tpu.vector_load %arg5[%swap3A_144] {strides = array<i32>} : memref<49152xf32, #tpu.memory_space<vmem>>, vector<16xf32>,
        %swap3A_146 = vector.shape_cast %swap3A_145 : vector<16xf32> to vector<16xf32>
        %swap3A_147 = vector.shape_cast %get3A_141 : vector<16xf32> to vector<16xf32>
        tpu.vector_store %arg5[%swap3A_144], %swap3A_147 {strides = array<i32>} : memref<49152xf32, #tpu.memory_space<vmem>>, vector<16xf32>,
        %add3A_148 = arith.constant 48 : i32
        %add3A_149 = arith.addi %mul3A_115, %add3A_148 : i32
        %get3A_150 = arith.index_cast %add3A_149 : i32 to index
        %get3A_151 = tpu.vector_load %arg6[%get3A_150] {strides = array<i32>} : memref<36864xf32, #tpu.memory_space<vmem>>, vector<16xf32>,
        %get3A_152 = vector.shape_cast %get3A_151 : vector<16xf32> to vector<16xf32>
        %add3A_153 = arith.constant 48 : i32
        %add3A_154 = arith.addi %mul3A_111, %add3A_153 : i32
        %swap3A_155 = arith.index_cast %add3A_154 : i32 to index
        %swap3A_156 = tpu.vector_load %arg5[%swap3A_155] {strides = array<i32>} : memref<49152xf32, #tpu.memory_space<vmem>>, vector<16xf32>,
        %swap3A_157 = vector.shape_cast %swap3A_156 : vector<16xf32> to vector<16xf32>
        %swap3A_158 = vector.shape_cast %get3A_152 : vector<16xf32> to vector<16xf32>
        tpu.vector_store %arg5[%swap3A_155], %swap3A_158 {strides = array<i32>} : memref<49152xf32, #tpu.memory_space<vmem>>, vector<16xf32>,
      } else {
      }
      %scan3A_109 = arith.constant 0 : i32
      scf.yield %scan3A_109 : i32
    }
    %scan3A_23 = arith.constant 40 : i32
    %scan3A_24 = arith.constant 0 : i32
    %scan3A_25 = arith.constant 0 : i32
    %scan3A_26 = arith.constant 40 : i32
    %scan3A_27 = arith.addi %scan3A_25, %scan3A_26 : i32
    %scan3A_28 = arith.constant 1 : i32
    %scan3A_29 = scf.for %scan3A_96 = %scan3A_25 to %scan3A_27 step %scan3A_28 iter_args(%scan3A_97 = %scan3A_24) -> (i32)  : i32 {
      %add3A_98 = arith.constant 96 : i32
      %add3A_99 = arith.addi %add3A_98, %scan3A_96 : i32
      %get3A = arith.index_cast %add3A_99 : i32 to index
      %get3A_100 = tpu.vector_load %arg7[%get3A] {strides = array<i32>} : memref<576xi32, #tpu.memory_space<vmem>>, vector<16xi32>,
      %get3A_101 = vector.shape_cast %get3A_100 : vector<16xi32> to vector<16xi32>
      %slice3A = vector.extract_strided_slice %get3A_101 {offsets = [0], sizes = [1], strides = [1]} : vector<16xi32> to vector<1xi32>
      %squeeze3A = vector.extract %slice3A[0] : i32 from vector<1xi32>
      %mul3A_102 = arith.constant 12 : i32
      %mul3A_103 = arith.muli %squeeze3A, %mul3A_102 : i32
      %add3A_104 = arith.constant 2 : i32
      %add3A_105 = arith.addi %mul3A_103, %add3A_104 : i32
      %ge3A = arith.cmpi sge, %add3A_105, %mul3A_2 : i32
      %add3A_106 = arith.constant 768 : i32
      %add3A_107 = arith.addi %mul3A_2, %add3A_106 : i32
      %lt3A = arith.cmpi slt, %add3A_105, %add3A_107 : i32
      %and3A = arith.andi %ge3A, %lt3A : i1
      %convert_element_type3A = arith.extui %and3A : i1 to i32
      %cond3A = arith.constant 0 : i32
      %cond3A_108 = arith.cmpi ne, %convert_element_type3A, %cond3A : i32
      scf.if %cond3A_108 {
        %sub3A = arith.subi %add3A_105, %mul3A_2 : i32
        %mul3A_110 = arith.constant 64 : i32
        %mul3A_111 = arith.muli %sub3A, %mul3A_110 : i32
        %add3A_112 = arith.constant 96 : i32
        %add3A_113 = arith.addi %add3A_112, %scan3A_96 : i32
        %mul3A_114 = arith.constant 64 : i32
        %mul3A_115 = arith.muli %add3A_113, %mul3A_114 : i32
        %add3A_116 = arith.constant 0 : i32
        %add3A_117 = arith.addi %mul3A_115, %add3A_116 : i32
        %get3A_118 = arith.index_cast %add3A_117 : i32 to index
        %get3A_119 = tpu.vector_load %arg6[%get3A_118] {strides = array<i32>} : memref<36864xf32, #tpu.memory_space<vmem>>, vector<16xf32>,
        %get3A_120 = vector.shape_cast %get3A_119 : vector<16xf32> to vector<16xf32>
        %add3A_121 = arith.constant 0 : i32
        %add3A_122 = arith.addi %mul3A_111, %add3A_121 : i32
        %swap3A = arith.index_cast %add3A_122 : i32 to index
        %swap3A_123 = tpu.vector_load %arg5[%swap3A] {strides = array<i32>} : memref<49152xf32, #tpu.memory_space<vmem>>, vector<16xf32>,
        %swap3A_124 = vector.shape_cast %swap3A_123 : vector<16xf32> to vector<16xf32>
        %swap3A_125 = vector.shape_cast %get3A_120 : vector<16xf32> to vector<16xf32>
        tpu.vector_store %arg5[%swap3A], %swap3A_125 {strides = array<i32>} : memref<49152xf32, #tpu.memory_space<vmem>>, vector<16xf32>,
        %add3A_126 = arith.constant 16 : i32
        %add3A_127 = arith.addi %mul3A_115, %add3A_126 : i32
        %get3A_128 = arith.index_cast %add3A_127 : i32 to index
        %get3A_129 = tpu.vector_load %arg6[%get3A_128] {strides = array<i32>} : memref<36864xf32, #tpu.memory_space<vmem>>, vector<16xf32>,
        %get3A_130 = vector.shape_cast %get3A_129 : vector<16xf32> to vector<16xf32>
        %add3A_131 = arith.constant 16 : i32
        %add3A_132 = arith.addi %mul3A_111, %add3A_131 : i32
        %swap3A_133 = arith.index_cast %add3A_132 : i32 to index
        %swap3A_134 = tpu.vector_load %arg5[%swap3A_133] {strides = array<i32>} : memref<49152xf32, #tpu.memory_space<vmem>>, vector<16xf32>,
        %swap3A_135 = vector.shape_cast %swap3A_134 : vector<16xf32> to vector<16xf32>
        %swap3A_136 = vector.shape_cast %get3A_130 : vector<16xf32> to vector<16xf32>
        tpu.vector_store %arg5[%swap3A_133], %swap3A_136 {strides = array<i32>} : memref<49152xf32, #tpu.memory_space<vmem>>, vector<16xf32>,
        %add3A_137 = arith.constant 32 : i32
        %add3A_138 = arith.addi %mul3A_115, %add3A_137 : i32
        %get3A_139 = arith.index_cast %add3A_138 : i32 to index
        %get3A_140 = tpu.vector_load %arg6[%get3A_139] {strides = array<i32>} : memref<36864xf32, #tpu.memory_space<vmem>>, vector<16xf32>,
        %get3A_141 = vector.shape_cast %get3A_140 : vector<16xf32> to vector<16xf32>
        %add3A_142 = arith.constant 32 : i32
        %add3A_143 = arith.addi %mul3A_111, %add3A_142 : i32
        %swap3A_144 = arith.index_cast %add3A_143 : i32 to index
        %swap3A_145 = tpu.vector_load %arg5[%swap3A_144] {strides = array<i32>} : memref<49152xf32, #tpu.memory_space<vmem>>, vector<16xf32>,
        %swap3A_146 = vector.shape_cast %swap3A_145 : vector<16xf32> to vector<16xf32>
        %swap3A_147 = vector.shape_cast %get3A_141 : vector<16xf32> to vector<16xf32>
        tpu.vector_store %arg5[%swap3A_144], %swap3A_147 {strides = array<i32>} : memref<49152xf32, #tpu.memory_space<vmem>>, vector<16xf32>,
        %add3A_148 = arith.constant 48 : i32
        %add3A_149 = arith.addi %mul3A_115, %add3A_148 : i32
        %get3A_150 = arith.index_cast %add3A_149 : i32 to index
        %get3A_151 = tpu.vector_load %arg6[%get3A_150] {strides = array<i32>} : memref<36864xf32, #tpu.memory_space<vmem>>, vector<16xf32>,
        %get3A_152 = vector.shape_cast %get3A_151 : vector<16xf32> to vector<16xf32>
        %add3A_153 = arith.constant 48 : i32
        %add3A_154 = arith.addi %mul3A_111, %add3A_153 : i32
        %swap3A_155 = arith.index_cast %add3A_154 : i32 to index
        %swap3A_156 = tpu.vector_load %arg5[%swap3A_155] {strides = array<i32>} : memref<49152xf32, #tpu.memory_space<vmem>>, vector<16xf32>,
        %swap3A_157 = vector.shape_cast %swap3A_156 : vector<16xf32> to vector<16xf32>
        %swap3A_158 = vector.shape_cast %get3A_152 : vector<16xf32> to vector<16xf32>
        tpu.vector_store %arg5[%swap3A_155], %swap3A_158 {strides = array<i32>} : memref<49152xf32, #tpu.memory_space<vmem>>, vector<16xf32>,
      } else {
      }
      %scan3A_109 = arith.constant 0 : i32
      scf.yield %scan3A_109 : i32
    }
    %scan3A_30 = arith.constant 40 : i32
    %scan3A_31 = arith.constant 0 : i32
    %scan3A_32 = arith.constant 0 : i32
    %scan3A_33 = arith.constant 40 : i32
    %scan3A_34 = arith.addi %scan3A_32, %scan3A_33 : i32
    %scan3A_35 = arith.constant 1 : i32
    %scan3A_36 = scf.for %scan3A_96 = %scan3A_32 to %scan3A_34 step %scan3A_35 iter_args(%scan3A_97 = %scan3A_31) -> (i32)  : i32 {
      %add3A_98 = arith.constant 144 : i32
      %add3A_99 = arith.addi %add3A_98, %scan3A_96 : i32
      %get3A = arith.index_cast %add3A_99 : i32 to index
      %get3A_100 = tpu.vector_load %arg7[%get3A] {strides = array<i32>} : memref<576xi32, #tpu.memory_space<vmem>>, vector<16xi32>,
      %get3A_101 = vector.shape_cast %get3A_100 : vector<16xi32> to vector<16xi32>
      %slice3A = vector.extract_strided_slice %get3A_101 {offsets = [0], sizes = [1], strides = [1]} : vector<16xi32> to vector<1xi32>
      %squeeze3A = vector.extract %slice3A[0] : i32 from vector<1xi32>
      %mul3A_102 = arith.constant 12 : i32
      %mul3A_103 = arith.muli %squeeze3A, %mul3A_102 : i32
      %add3A_104 = arith.constant 3 : i32
      %add3A_105 = arith.addi %mul3A_103, %add3A_104 : i32
      %ge3A = arith.cmpi sge, %add3A_105, %mul3A_2 : i32
      %add3A_106 = arith.constant 768 : i32
      %add3A_107 = arith.addi %mul3A_2, %add3A_106 : i32
      %lt3A = arith.cmpi slt, %add3A_105, %add3A_107 : i32
      %and3A = arith.andi %ge3A, %lt3A : i1
      %convert_element_type3A = arith.extui %and3A : i1 to i32
      %cond3A = arith.constant 0 : i32
      %cond3A_108 = arith.cmpi ne, %convert_element_type3A, %cond3A : i32
      scf.if %cond3A_108 {
        %sub3A = arith.subi %add3A_105, %mul3A_2 : i32
        %mul3A_110 = arith.constant 64 : i32
        %mul3A_111 = arith.muli %sub3A, %mul3A_110 : i32
        %add3A_112 = arith.constant 144 : i32
        %add3A_113 = arith.addi %add3A_112, %scan3A_96 : i32
        %mul3A_114 = arith.constant 64 : i32
        %mul3A_115 = arith.muli %add3A_113, %mul3A_114 : i32
        %add3A_116 = arith.constant 0 : i32
        %add3A_117 = arith.addi %mul3A_115, %add3A_116 : i32
        %get3A_118 = arith.index_cast %add3A_117 : i32 to index
        %get3A_119 = tpu.vector_load %arg6[%get3A_118] {strides = array<i32>} : memref<36864xf32, #tpu.memory_space<vmem>>, vector<16xf32>,
        %get3A_120 = vector.shape_cast %get3A_119 : vector<16xf32> to vector<16xf32>
        %add3A_121 = arith.constant 0 : i32
        %add3A_122 = arith.addi %mul3A_111, %add3A_121 : i32
        %swap3A = arith.index_cast %add3A_122 : i32 to index
        %swap3A_123 = tpu.vector_load %arg5[%swap3A] {strides = array<i32>} : memref<49152xf32, #tpu.memory_space<vmem>>, vector<16xf32>,
        %swap3A_124 = vector.shape_cast %swap3A_123 : vector<16xf32> to vector<16xf32>
        %swap3A_125 = vector.shape_cast %get3A_120 : vector<16xf32> to vector<16xf32>
        tpu.vector_store %arg5[%swap3A], %swap3A_125 {strides = array<i32>} : memref<49152xf32, #tpu.memory_space<vmem>>, vector<16xf32>,
        %add3A_126 = arith.constant 16 : i32
        %add3A_127 = arith.addi %mul3A_115, %add3A_126 : i32
        %get3A_128 = arith.index_cast %add3A_127 : i32 to index
        %get3A_129 = tpu.vector_load %arg6[%get3A_128] {strides = array<i32>} : memref<36864xf32, #tpu.memory_space<vmem>>, vector<16xf32>,
        %get3A_130 = vector.shape_cast %get3A_129 : vector<16xf32> to vector<16xf32>
        %add3A_131 = arith.constant 16 : i32
        %add3A_132 = arith.addi %mul3A_111, %add3A_131 : i32
        %swap3A_133 = arith.index_cast %add3A_132 : i32 to index
        %swap3A_134 = tpu.vector_load %arg5[%swap3A_133] {strides = array<i32>} : memref<49152xf32, #tpu.memory_space<vmem>>, vector<16xf32>,
        %swap3A_135 = vector.shape_cast %swap3A_134 : vector<16xf32> to vector<16xf32>
        %swap3A_136 = vector.shape_cast %get3A_130 : vector<16xf32> to vector<16xf32>
        tpu.vector_store %arg5[%swap3A_133], %swap3A_136 {strides = array<i32>} : memref<49152xf32, #tpu.memory_space<vmem>>, vector<16xf32>,
        %add3A_137 = arith.constant 32 : i32
        %add3A_138 = arith.addi %mul3A_115, %add3A_137 : i32
        %get3A_139 = arith.index_cast %add3A_138 : i32 to index
        %get3A_140 = tpu.vector_load %arg6[%get3A_139] {strides = array<i32>} : memref<36864xf32, #tpu.memory_space<vmem>>, vector<16xf32>,
        %get3A_141 = vector.shape_cast %get3A_140 : vector<16xf32> to vector<16xf32>
        %add3A_142 = arith.constant 32 : i32
        %add3A_143 = arith.addi %mul3A_111, %add3A_142 : i32
        %swap3A_144 = arith.index_cast %add3A_143 : i32 to index
        %swap3A_145 = tpu.vector_load %arg5[%swap3A_144] {strides = array<i32>} : memref<49152xf32, #tpu.memory_space<vmem>>, vector<16xf32>,
        %swap3A_146 = vector.shape_cast %swap3A_145 : vector<16xf32> to vector<16xf32>
        %swap3A_147 = vector.shape_cast %get3A_141 : vector<16xf32> to vector<16xf32>
        tpu.vector_store %arg5[%swap3A_144], %swap3A_147 {strides = array<i32>} : memref<49152xf32, #tpu.memory_space<vmem>>, vector<16xf32>,
        %add3A_148 = arith.constant 48 : i32
        %add3A_149 = arith.addi %mul3A_115, %add3A_148 : i32
        %get3A_150 = arith.index_cast %add3A_149 : i32 to index
        %get3A_151 = tpu.vector_load %arg6[%get3A_150] {strides = array<i32>} : memref<36864xf32, #tpu.memory_space<vmem>>, vector<16xf32>,
        %get3A_152 = vector.shape_cast %get3A_151 : vector<16xf32> to vector<16xf32>
        %add3A_153 = arith.constant 48 : i32
        %add3A_154 = arith.addi %mul3A_111, %add3A_153 : i32
        %swap3A_155 = arith.index_cast %add3A_154 : i32 to index
        %swap3A_156 = tpu.vector_load %arg5[%swap3A_155] {strides = array<i32>} : memref<49152xf32, #tpu.memory_space<vmem>>, vector<16xf32>,
        %swap3A_157 = vector.shape_cast %swap3A_156 : vector<16xf32> to vector<16xf32>
        %swap3A_158 = vector.shape_cast %get3A_152 : vector<16xf32> to vector<16xf32>
        tpu.vector_store %arg5[%swap3A_155], %swap3A_158 {strides = array<i32>} : memref<49152xf32, #tpu.memory_space<vmem>>, vector<16xf32>,
      } else {
      }
      %scan3A_109 = arith.constant 0 : i32
      scf.yield %scan3A_109 : i32
    }
    %scan3A_37 = arith.constant 40 : i32
    %scan3A_38 = arith.constant 0 : i32
    %scan3A_39 = arith.constant 0 : i32
    %scan3A_40 = arith.constant 40 : i32
    %scan3A_41 = arith.addi %scan3A_39, %scan3A_40 : i32
    %scan3A_42 = arith.constant 1 : i32
    %scan3A_43 = scf.for %scan3A_96 = %scan3A_39 to %scan3A_41 step %scan3A_42 iter_args(%scan3A_97 = %scan3A_38) -> (i32)  : i32 {
      %add3A_98 = arith.constant 192 : i32
      %add3A_99 = arith.addi %add3A_98, %scan3A_96 : i32
      %get3A = arith.index_cast %add3A_99 : i32 to index
      %get3A_100 = tpu.vector_load %arg7[%get3A] {strides = array<i32>} : memref<576xi32, #tpu.memory_space<vmem>>, vector<16xi32>,
      %get3A_101 = vector.shape_cast %get3A_100 : vector<16xi32> to vector<16xi32>
      %slice3A = vector.extract_strided_slice %get3A_101 {offsets = [0], sizes = [1], strides = [1]} : vector<16xi32> to vector<1xi32>
      %squeeze3A = vector.extract %slice3A[0] : i32 from vector<1xi32>
      %mul3A_102 = arith.constant 12 : i32
      %mul3A_103 = arith.muli %squeeze3A, %mul3A_102 : i32
      %add3A_104 = arith.constant 4 : i32
      %add3A_105 = arith.addi %mul3A_103, %add3A_104 : i32
      %ge3A = arith.cmpi sge, %add3A_105, %mul3A_2 : i32
      %add3A_106 = arith.constant 768 : i32
      %add3A_107 = arith.addi %mul3A_2, %add3A_106 : i32
      %lt3A = arith.cmpi slt, %add3A_105, %add3A_107 : i32
      %and3A = arith.andi %ge3A, %lt3A : i1
      %convert_element_type3A = arith.extui %and3A : i1 to i32
      %cond3A = arith.constant 0 : i32
      %cond3A_108 = arith.cmpi ne, %convert_element_type3A, %cond3A : i32
      scf.if %cond3A_108 {
        %sub3A = arith.subi %add3A_105, %mul3A_2 : i32
        %mul3A_110 = arith.constant 64 : i32
        %mul3A_111 = arith.muli %sub3A, %mul3A_110 : i32
        %add3A_112 = arith.constant 192 : i32
        %add3A_113 = arith.addi %add3A_112, %scan3A_96 : i32
        %mul3A_114 = arith.constant 64 : i32
        %mul3A_115 = arith.muli %add3A_113, %mul3A_114 : i32
        %add3A_116 = arith.constant 0 : i32
        %add3A_117 = arith.addi %mul3A_115, %add3A_116 : i32
        %get3A_118 = arith.index_cast %add3A_117 : i32 to index
        %get3A_119 = tpu.vector_load %arg6[%get3A_118] {strides = array<i32>} : memref<36864xf32, #tpu.memory_space<vmem>>, vector<16xf32>,
        %get3A_120 = vector.shape_cast %get3A_119 : vector<16xf32> to vector<16xf32>
        %add3A_121 = arith.constant 0 : i32
        %add3A_122 = arith.addi %mul3A_111, %add3A_121 : i32
        %swap3A = arith.index_cast %add3A_122 : i32 to index
        %swap3A_123 = tpu.vector_load %arg5[%swap3A] {strides = array<i32>} : memref<49152xf32, #tpu.memory_space<vmem>>, vector<16xf32>,
        %swap3A_124 = vector.shape_cast %swap3A_123 : vector<16xf32> to vector<16xf32>
        %swap3A_125 = vector.shape_cast %get3A_120 : vector<16xf32> to vector<16xf32>
        tpu.vector_store %arg5[%swap3A], %swap3A_125 {strides = array<i32>} : memref<49152xf32, #tpu.memory_space<vmem>>, vector<16xf32>,
        %add3A_126 = arith.constant 16 : i32
        %add3A_127 = arith.addi %mul3A_115, %add3A_126 : i32
        %get3A_128 = arith.index_cast %add3A_127 : i32 to index
        %get3A_129 = tpu.vector_load %arg6[%get3A_128] {strides = array<i32>} : memref<36864xf32, #tpu.memory_space<vmem>>, vector<16xf32>,
        %get3A_130 = vector.shape_cast %get3A_129 : vector<16xf32> to vector<16xf32>
        %add3A_131 = arith.constant 16 : i32
        %add3A_132 = arith.addi %mul3A_111, %add3A_131 : i32
        %swap3A_133 = arith.index_cast %add3A_132 : i32 to index
        %swap3A_134 = tpu.vector_load %arg5[%swap3A_133] {strides = array<i32>} : memref<49152xf32, #tpu.memory_space<vmem>>, vector<16xf32>,
        %swap3A_135 = vector.shape_cast %swap3A_134 : vector<16xf32> to vector<16xf32>
        %swap3A_136 = vector.shape_cast %get3A_130 : vector<16xf32> to vector<16xf32>
        tpu.vector_store %arg5[%swap3A_133], %swap3A_136 {strides = array<i32>} : memref<49152xf32, #tpu.memory_space<vmem>>, vector<16xf32>,
        %add3A_137 = arith.constant 32 : i32
        %add3A_138 = arith.addi %mul3A_115, %add3A_137 : i32
        %get3A_139 = arith.index_cast %add3A_138 : i32 to index
        %get3A_140 = tpu.vector_load %arg6[%get3A_139] {strides = array<i32>} : memref<36864xf32, #tpu.memory_space<vmem>>, vector<16xf32>,
        %get3A_141 = vector.shape_cast %get3A_140 : vector<16xf32> to vector<16xf32>
        %add3A_142 = arith.constant 32 : i32
        %add3A_143 = arith.addi %mul3A_111, %add3A_142 : i32
        %swap3A_144 = arith.index_cast %add3A_143 : i32 to index
        %swap3A_145 = tpu.vector_load %arg5[%swap3A_144] {strides = array<i32>} : memref<49152xf32, #tpu.memory_space<vmem>>, vector<16xf32>,
        %swap3A_146 = vector.shape_cast %swap3A_145 : vector<16xf32> to vector<16xf32>
        %swap3A_147 = vector.shape_cast %get3A_141 : vector<16xf32> to vector<16xf32>
        tpu.vector_store %arg5[%swap3A_144], %swap3A_147 {strides = array<i32>} : memref<49152xf32, #tpu.memory_space<vmem>>, vector<16xf32>,
        %add3A_148 = arith.constant 48 : i32
        %add3A_149 = arith.addi %mul3A_115, %add3A_148 : i32
        %get3A_150 = arith.index_cast %add3A_149 : i32 to index
        %get3A_151 = tpu.vector_load %arg6[%get3A_150] {strides = array<i32>} : memref<36864xf32, #tpu.memory_space<vmem>>, vector<16xf32>,
        %get3A_152 = vector.shape_cast %get3A_151 : vector<16xf32> to vector<16xf32>
        %add3A_153 = arith.constant 48 : i32
        %add3A_154 = arith.addi %mul3A_111, %add3A_153 : i32
        %swap3A_155 = arith.index_cast %add3A_154 : i32 to index
        %swap3A_156 = tpu.vector_load %arg5[%swap3A_155] {strides = array<i32>} : memref<49152xf32, #tpu.memory_space<vmem>>, vector<16xf32>,
        %swap3A_157 = vector.shape_cast %swap3A_156 : vector<16xf32> to vector<16xf32>
        %swap3A_158 = vector.shape_cast %get3A_152 : vector<16xf32> to vector<16xf32>
        tpu.vector_store %arg5[%swap3A_155], %swap3A_158 {strides = array<i32>} : memref<49152xf32, #tpu.memory_space<vmem>>, vector<16xf32>,
      } else {
      }
      %scan3A_109 = arith.constant 0 : i32
      scf.yield %scan3A_109 : i32
    }
    %scan3A_44 = arith.constant 40 : i32
    %scan3A_45 = arith.constant 0 : i32
    %scan3A_46 = arith.constant 0 : i32
    %scan3A_47 = arith.constant 40 : i32
    %scan3A_48 = arith.addi %scan3A_46, %scan3A_47 : i32
    %scan3A_49 = arith.constant 1 : i32
    %scan3A_50 = scf.for %scan3A_96 = %scan3A_46 to %scan3A_48 step %scan3A_49 iter_args(%scan3A_97 = %scan3A_45) -> (i32)  : i32 {
      %add3A_98 = arith.constant 240 : i32
      %add3A_99 = arith.addi %add3A_98, %scan3A_96 : i32
      %get3A = arith.index_cast %add3A_99 : i32 to index
      %get3A_100 = tpu.vector_load %arg7[%get3A] {strides = array<i32>} : memref<576xi32, #tpu.memory_space<vmem>>, vector<16xi32>,
      %get3A_101 = vector.shape_cast %get3A_100 : vector<16xi32> to vector<16xi32>
      %slice3A = vector.extract_strided_slice %get3A_101 {offsets = [0], sizes = [1], strides = [1]} : vector<16xi32> to vector<1xi32>
      %squeeze3A = vector.extract %slice3A[0] : i32 from vector<1xi32>
      %mul3A_102 = arith.constant 12 : i32
      %mul3A_103 = arith.muli %squeeze3A, %mul3A_102 : i32
      %add3A_104 = arith.constant 5 : i32
      %add3A_105 = arith.addi %mul3A_103, %add3A_104 : i32
      %ge3A = arith.cmpi sge, %add3A_105, %mul3A_2 : i32
      %add3A_106 = arith.constant 768 : i32
      %add3A_107 = arith.addi %mul3A_2, %add3A_106 : i32
      %lt3A = arith.cmpi slt, %add3A_105, %add3A_107 : i32
      %and3A = arith.andi %ge3A, %lt3A : i1
      %convert_element_type3A = arith.extui %and3A : i1 to i32
      %cond3A = arith.constant 0 : i32
      %cond3A_108 = arith.cmpi ne, %convert_element_type3A, %cond3A : i32
      scf.if %cond3A_108 {
        %sub3A = arith.subi %add3A_105, %mul3A_2 : i32
        %mul3A_110 = arith.constant 64 : i32
        %mul3A_111 = arith.muli %sub3A, %mul3A_110 : i32
        %add3A_112 = arith.constant 240 : i32
        %add3A_113 = arith.addi %add3A_112, %scan3A_96 : i32
        %mul3A_114 = arith.constant 64 : i32
        %mul3A_115 = arith.muli %add3A_113, %mul3A_114 : i32
        %add3A_116 = arith.constant 0 : i32
        %add3A_117 = arith.addi %mul3A_115, %add3A_116 : i32
        %get3A_118 = arith.index_cast %add3A_117 : i32 to index
        %get3A_119 = tpu.vector_load %arg6[%get3A_118] {strides = array<i32>} : memref<36864xf32, #tpu.memory_space<vmem>>, vector<16xf32>,
        %get3A_120 = vector.shape_cast %get3A_119 : vector<16xf32> to vector<16xf32>
        %add3A_121 = arith.constant 0 : i32
        %add3A_122 = arith.addi %mul3A_111, %add3A_121 : i32
        %swap3A = arith.index_cast %add3A_122 : i32 to index
        %swap3A_123 = tpu.vector_load %arg5[%swap3A] {strides = array<i32>} : memref<49152xf32, #tpu.memory_space<vmem>>, vector<16xf32>,
        %swap3A_124 = vector.shape_cast %swap3A_123 : vector<16xf32> to vector<16xf32>
        %swap3A_125 = vector.shape_cast %get3A_120 : vector<16xf32> to vector<16xf32>
        tpu.vector_store %arg5[%swap3A], %swap3A_125 {strides = array<i32>} : memref<49152xf32, #tpu.memory_space<vmem>>, vector<16xf32>,
        %add3A_126 = arith.constant 16 : i32
        %add3A_127 = arith.addi %mul3A_115, %add3A_126 : i32
        %get3A_128 = arith.index_cast %add3A_127 : i32 to index
        %get3A_129 = tpu.vector_load %arg6[%get3A_128] {strides = array<i32>} : memref<36864xf32, #tpu.memory_space<vmem>>, vector<16xf32>,
        %get3A_130 = vector.shape_cast %get3A_129 : vector<16xf32> to vector<16xf32>
        %add3A_131 = arith.constant 16 : i32
        %add3A_132 = arith.addi %mul3A_111, %add3A_131 : i32
        %swap3A_133 = arith.index_cast %add3A_132 : i32 to index
        %swap3A_134 = tpu.vector_load %arg5[%swap3A_133] {strides = array<i32>} : memref<49152xf32, #tpu.memory_space<vmem>>, vector<16xf32>,
        %swap3A_135 = vector.shape_cast %swap3A_134 : vector<16xf32> to vector<16xf32>
        %swap3A_136 = vector.shape_cast %get3A_130 : vector<16xf32> to vector<16xf32>
        tpu.vector_store %arg5[%swap3A_133], %swap3A_136 {strides = array<i32>} : memref<49152xf32, #tpu.memory_space<vmem>>, vector<16xf32>,
        %add3A_137 = arith.constant 32 : i32
        %add3A_138 = arith.addi %mul3A_115, %add3A_137 : i32
        %get3A_139 = arith.index_cast %add3A_138 : i32 to index
        %get3A_140 = tpu.vector_load %arg6[%get3A_139] {strides = array<i32>} : memref<36864xf32, #tpu.memory_space<vmem>>, vector<16xf32>,
        %get3A_141 = vector.shape_cast %get3A_140 : vector<16xf32> to vector<16xf32>
        %add3A_142 = arith.constant 32 : i32
        %add3A_143 = arith.addi %mul3A_111, %add3A_142 : i32
        %swap3A_144 = arith.index_cast %add3A_143 : i32 to index
        %swap3A_145 = tpu.vector_load %arg5[%swap3A_144] {strides = array<i32>} : memref<49152xf32, #tpu.memory_space<vmem>>, vector<16xf32>,
        %swap3A_146 = vector.shape_cast %swap3A_145 : vector<16xf32> to vector<16xf32>
        %swap3A_147 = vector.shape_cast %get3A_141 : vector<16xf32> to vector<16xf32>
        tpu.vector_store %arg5[%swap3A_144], %swap3A_147 {strides = array<i32>} : memref<49152xf32, #tpu.memory_space<vmem>>, vector<16xf32>,
        %add3A_148 = arith.constant 48 : i32
        %add3A_149 = arith.addi %mul3A_115, %add3A_148 : i32
        %get3A_150 = arith.index_cast %add3A_149 : i32 to index
        %get3A_151 = tpu.vector_load %arg6[%get3A_150] {strides = array<i32>} : memref<36864xf32, #tpu.memory_space<vmem>>, vector<16xf32>,
        %get3A_152 = vector.shape_cast %get3A_151 : vector<16xf32> to vector<16xf32>
        %add3A_153 = arith.constant 48 : i32
        %add3A_154 = arith.addi %mul3A_111, %add3A_153 : i32
        %swap3A_155 = arith.index_cast %add3A_154 : i32 to index
        %swap3A_156 = tpu.vector_load %arg5[%swap3A_155] {strides = array<i32>} : memref<49152xf32, #tpu.memory_space<vmem>>, vector<16xf32>,
        %swap3A_157 = vector.shape_cast %swap3A_156 : vector<16xf32> to vector<16xf32>
        %swap3A_158 = vector.shape_cast %get3A_152 : vector<16xf32> to vector<16xf32>
        tpu.vector_store %arg5[%swap3A_155], %swap3A_158 {strides = array<i32>} : memref<49152xf32, #tpu.memory_space<vmem>>, vector<16xf32>,
      } else {
      }
      %scan3A_109 = arith.constant 0 : i32
      scf.yield %scan3A_109 : i32
    }
    %scan3A_51 = arith.constant 40 : i32
    %scan3A_52 = arith.constant 0 : i32
    %scan3A_53 = arith.constant 0 : i32
    %scan3A_54 = arith.constant 40 : i32
    %scan3A_55 = arith.addi %scan3A_53, %scan3A_54 : i32
    %scan3A_56 = arith.constant 1 : i32
    %scan3A_57 = scf.for %scan3A_96 = %scan3A_53 to %scan3A_55 step %scan3A_56 iter_args(%scan3A_97 = %scan3A_52) -> (i32)  : i32 {
      %add3A_98 = arith.constant 288 : i32
      %add3A_99 = arith.addi %add3A_98, %scan3A_96 : i32
      %get3A = arith.index_cast %add3A_99 : i32 to index
      %get3A_100 = tpu.vector_load %arg7[%get3A] {strides = array<i32>} : memref<576xi32, #tpu.memory_space<vmem>>, vector<16xi32>,
      %get3A_101 = vector.shape_cast %get3A_100 : vector<16xi32> to vector<16xi32>
      %slice3A = vector.extract_strided_slice %get3A_101 {offsets = [0], sizes = [1], strides = [1]} : vector<16xi32> to vector<1xi32>
      %squeeze3A = vector.extract %slice3A[0] : i32 from vector<1xi32>
      %mul3A_102 = arith.constant 12 : i32
      %mul3A_103 = arith.muli %squeeze3A, %mul3A_102 : i32
      %add3A_104 = arith.constant 6 : i32
      %add3A_105 = arith.addi %mul3A_103, %add3A_104 : i32
      %ge3A = arith.cmpi sge, %add3A_105, %mul3A_2 : i32
      %add3A_106 = arith.constant 768 : i32
      %add3A_107 = arith.addi %mul3A_2, %add3A_106 : i32
      %lt3A = arith.cmpi slt, %add3A_105, %add3A_107 : i32
      %and3A = arith.andi %ge3A, %lt3A : i1
      %convert_element_type3A = arith.extui %and3A : i1 to i32
      %cond3A = arith.constant 0 : i32
      %cond3A_108 = arith.cmpi ne, %convert_element_type3A, %cond3A : i32
      scf.if %cond3A_108 {
        %sub3A = arith.subi %add3A_105, %mul3A_2 : i32
        %mul3A_110 = arith.constant 64 : i32
        %mul3A_111 = arith.muli %sub3A, %mul3A_110 : i32
        %add3A_112 = arith.constant 288 : i32
        %add3A_113 = arith.addi %add3A_112, %scan3A_96 : i32
        %mul3A_114 = arith.constant 64 : i32
        %mul3A_115 = arith.muli %add3A_113, %mul3A_114 : i32
        %add3A_116 = arith.constant 0 : i32
        %add3A_117 = arith.addi %mul3A_115, %add3A_116 : i32
        %get3A_118 = arith.index_cast %add3A_117 : i32 to index
        %get3A_119 = tpu.vector_load %arg6[%get3A_118] {strides = array<i32>} : memref<36864xf32, #tpu.memory_space<vmem>>, vector<16xf32>,
        %get3A_120 = vector.shape_cast %get3A_119 : vector<16xf32> to vector<16xf32>
        %add3A_121 = arith.constant 0 : i32
        %add3A_122 = arith.addi %mul3A_111, %add3A_121 : i32
        %swap3A = arith.index_cast %add3A_122 : i32 to index
        %swap3A_123 = tpu.vector_load %arg5[%swap3A] {strides = array<i32>} : memref<49152xf32, #tpu.memory_space<vmem>>, vector<16xf32>,
        %swap3A_124 = vector.shape_cast %swap3A_123 : vector<16xf32> to vector<16xf32>
        %swap3A_125 = vector.shape_cast %get3A_120 : vector<16xf32> to vector<16xf32>
        tpu.vector_store %arg5[%swap3A], %swap3A_125 {strides = array<i32>} : memref<49152xf32, #tpu.memory_space<vmem>>, vector<16xf32>,
        %add3A_126 = arith.constant 16 : i32
        %add3A_127 = arith.addi %mul3A_115, %add3A_126 : i32
        %get3A_128 = arith.index_cast %add3A_127 : i32 to index
        %get3A_129 = tpu.vector_load %arg6[%get3A_128] {strides = array<i32>} : memref<36864xf32, #tpu.memory_space<vmem>>, vector<16xf32>,
        %get3A_130 = vector.shape_cast %get3A_129 : vector<16xf32> to vector<16xf32>
        %add3A_131 = arith.constant 16 : i32
        %add3A_132 = arith.addi %mul3A_111, %add3A_131 : i32
        %swap3A_133 = arith.index_cast %add3A_132 : i32 to index
        %swap3A_134 = tpu.vector_load %arg5[%swap3A_133] {strides = array<i32>} : memref<49152xf32, #tpu.memory_space<vmem>>, vector<16xf32>,
        %swap3A_135 = vector.shape_cast %swap3A_134 : vector<16xf32> to vector<16xf32>
        %swap3A_136 = vector.shape_cast %get3A_130 : vector<16xf32> to vector<16xf32>
        tpu.vector_store %arg5[%swap3A_133], %swap3A_136 {strides = array<i32>} : memref<49152xf32, #tpu.memory_space<vmem>>, vector<16xf32>,
        %add3A_137 = arith.constant 32 : i32
        %add3A_138 = arith.addi %mul3A_115, %add3A_137 : i32
        %get3A_139 = arith.index_cast %add3A_138 : i32 to index
        %get3A_140 = tpu.vector_load %arg6[%get3A_139] {strides = array<i32>} : memref<36864xf32, #tpu.memory_space<vmem>>, vector<16xf32>,
        %get3A_141 = vector.shape_cast %get3A_140 : vector<16xf32> to vector<16xf32>
        %add3A_142 = arith.constant 32 : i32
        %add3A_143 = arith.addi %mul3A_111, %add3A_142 : i32
        %swap3A_144 = arith.index_cast %add3A_143 : i32 to index
        %swap3A_145 = tpu.vector_load %arg5[%swap3A_144] {strides = array<i32>} : memref<49152xf32, #tpu.memory_space<vmem>>, vector<16xf32>,
        %swap3A_146 = vector.shape_cast %swap3A_145 : vector<16xf32> to vector<16xf32>
        %swap3A_147 = vector.shape_cast %get3A_141 : vector<16xf32> to vector<16xf32>
        tpu.vector_store %arg5[%swap3A_144], %swap3A_147 {strides = array<i32>} : memref<49152xf32, #tpu.memory_space<vmem>>, vector<16xf32>,
        %add3A_148 = arith.constant 48 : i32
        %add3A_149 = arith.addi %mul3A_115, %add3A_148 : i32
        %get3A_150 = arith.index_cast %add3A_149 : i32 to index
        %get3A_151 = tpu.vector_load %arg6[%get3A_150] {strides = array<i32>} : memref<36864xf32, #tpu.memory_space<vmem>>, vector<16xf32>,
        %get3A_152 = vector.shape_cast %get3A_151 : vector<16xf32> to vector<16xf32>
        %add3A_153 = arith.constant 48 : i32
        %add3A_154 = arith.addi %mul3A_111, %add3A_153 : i32
        %swap3A_155 = arith.index_cast %add3A_154 : i32 to index
        %swap3A_156 = tpu.vector_load %arg5[%swap3A_155] {strides = array<i32>} : memref<49152xf32, #tpu.memory_space<vmem>>, vector<16xf32>,
        %swap3A_157 = vector.shape_cast %swap3A_156 : vector<16xf32> to vector<16xf32>
        %swap3A_158 = vector.shape_cast %get3A_152 : vector<16xf32> to vector<16xf32>
        tpu.vector_store %arg5[%swap3A_155], %swap3A_158 {strides = array<i32>} : memref<49152xf32, #tpu.memory_space<vmem>>, vector<16xf32>,
      } else {
      }
      %scan3A_109 = arith.constant 0 : i32
      scf.yield %scan3A_109 : i32
    }
    %scan3A_58 = arith.constant 40 : i32
    %scan3A_59 = arith.constant 0 : i32
    %scan3A_60 = arith.constant 0 : i32
    %scan3A_61 = arith.constant 40 : i32
    %scan3A_62 = arith.addi %scan3A_60, %scan3A_61 : i32
    %scan3A_63 = arith.constant 1 : i32
    %scan3A_64 = scf.for %scan3A_96 = %scan3A_60 to %scan3A_62 step %scan3A_63 iter_args(%scan3A_97 = %scan3A_59) -> (i32)  : i32 {
      %add3A_98 = arith.constant 336 : i32
      %add3A_99 = arith.addi %add3A_98, %scan3A_96 : i32
      %get3A = arith.index_cast %add3A_99 : i32 to index
      %get3A_100 = tpu.vector_load %arg7[%get3A] {strides = array<i32>} : memref<576xi32, #tpu.memory_space<vmem>>, vector<16xi32>,
      %get3A_101 = vector.shape_cast %get3A_100 : vector<16xi32> to vector<16xi32>
      %slice3A = vector.extract_strided_slice %get3A_101 {offsets = [0], sizes = [1], strides = [1]} : vector<16xi32> to vector<1xi32>
      %squeeze3A = vector.extract %slice3A[0] : i32 from vector<1xi32>
      %mul3A_102 = arith.constant 12 : i32
      %mul3A_103 = arith.muli %squeeze3A, %mul3A_102 : i32
      %add3A_104 = arith.constant 7 : i32
      %add3A_105 = arith.addi %mul3A_103, %add3A_104 : i32
      %ge3A = arith.cmpi sge, %add3A_105, %mul3A_2 : i32
      %add3A_106 = arith.constant 768 : i32
      %add3A_107 = arith.addi %mul3A_2, %add3A_106 : i32
      %lt3A = arith.cmpi slt, %add3A_105, %add3A_107 : i32
      %and3A = arith.andi %ge3A, %lt3A : i1
      %convert_element_type3A = arith.extui %and3A : i1 to i32
      %cond3A = arith.constant 0 : i32
      %cond3A_108 = arith.cmpi ne, %convert_element_type3A, %cond3A : i32
      scf.if %cond3A_108 {
        %sub3A = arith.subi %add3A_105, %mul3A_2 : i32
        %mul3A_110 = arith.constant 64 : i32
        %mul3A_111 = arith.muli %sub3A, %mul3A_110 : i32
        %add3A_112 = arith.constant 336 : i32
        %add3A_113 = arith.addi %add3A_112, %scan3A_96 : i32
        %mul3A_114 = arith.constant 64 : i32
        %mul3A_115 = arith.muli %add3A_113, %mul3A_114 : i32
        %add3A_116 = arith.constant 0 : i32
        %add3A_117 = arith.addi %mul3A_115, %add3A_116 : i32
        %get3A_118 = arith.index_cast %add3A_117 : i32 to index
        %get3A_119 = tpu.vector_load %arg6[%get3A_118] {strides = array<i32>} : memref<36864xf32, #tpu.memory_space<vmem>>, vector<16xf32>,
        %get3A_120 = vector.shape_cast %get3A_119 : vector<16xf32> to vector<16xf32>
        %add3A_121 = arith.constant 0 : i32
        %add3A_122 = arith.addi %mul3A_111, %add3A_121 : i32
        %swap3A = arith.index_cast %add3A_122 : i32 to index
        %swap3A_123 = tpu.vector_load %arg5[%swap3A] {strides = array<i32>} : memref<49152xf32, #tpu.memory_space<vmem>>, vector<16xf32>,
        %swap3A_124 = vector.shape_cast %swap3A_123 : vector<16xf32> to vector<16xf32>
        %swap3A_125 = vector.shape_cast %get3A_120 : vector<16xf32> to vector<16xf32>
        tpu.vector_store %arg5[%swap3A], %swap3A_125 {strides = array<i32>} : memref<49152xf32, #tpu.memory_space<vmem>>, vector<16xf32>,
        %add3A_126 = arith.constant 16 : i32
        %add3A_127 = arith.addi %mul3A_115, %add3A_126 : i32
        %get3A_128 = arith.index_cast %add3A_127 : i32 to index
        %get3A_129 = tpu.vector_load %arg6[%get3A_128] {strides = array<i32>} : memref<36864xf32, #tpu.memory_space<vmem>>, vector<16xf32>,
        %get3A_130 = vector.shape_cast %get3A_129 : vector<16xf32> to vector<16xf32>
        %add3A_131 = arith.constant 16 : i32
        %add3A_132 = arith.addi %mul3A_111, %add3A_131 : i32
        %swap3A_133 = arith.index_cast %add3A_132 : i32 to index
        %swap3A_134 = tpu.vector_load %arg5[%swap3A_133] {strides = array<i32>} : memref<49152xf32, #tpu.memory_space<vmem>>, vector<16xf32>,
        %swap3A_135 = vector.shape_cast %swap3A_134 : vector<16xf32> to vector<16xf32>
        %swap3A_136 = vector.shape_cast %get3A_130 : vector<16xf32> to vector<16xf32>
        tpu.vector_store %arg5[%swap3A_133], %swap3A_136 {strides = array<i32>} : memref<49152xf32, #tpu.memory_space<vmem>>, vector<16xf32>,
        %add3A_137 = arith.constant 32 : i32
        %add3A_138 = arith.addi %mul3A_115, %add3A_137 : i32
        %get3A_139 = arith.index_cast %add3A_138 : i32 to index
        %get3A_140 = tpu.vector_load %arg6[%get3A_139] {strides = array<i32>} : memref<36864xf32, #tpu.memory_space<vmem>>, vector<16xf32>,
        %get3A_141 = vector.shape_cast %get3A_140 : vector<16xf32> to vector<16xf32>
        %add3A_142 = arith.constant 32 : i32
        %add3A_143 = arith.addi %mul3A_111, %add3A_142 : i32
        %swap3A_144 = arith.index_cast %add3A_143 : i32 to index
        %swap3A_145 = tpu.vector_load %arg5[%swap3A_144] {strides = array<i32>} : memref<49152xf32, #tpu.memory_space<vmem>>, vector<16xf32>,
        %swap3A_146 = vector.shape_cast %swap3A_145 : vector<16xf32> to vector<16xf32>
        %swap3A_147 = vector.shape_cast %get3A_141 : vector<16xf32> to vector<16xf32>
        tpu.vector_store %arg5[%swap3A_144], %swap3A_147 {strides = array<i32>} : memref<49152xf32, #tpu.memory_space<vmem>>, vector<16xf32>,
        %add3A_148 = arith.constant 48 : i32
        %add3A_149 = arith.addi %mul3A_115, %add3A_148 : i32
        %get3A_150 = arith.index_cast %add3A_149 : i32 to index
        %get3A_151 = tpu.vector_load %arg6[%get3A_150] {strides = array<i32>} : memref<36864xf32, #tpu.memory_space<vmem>>, vector<16xf32>,
        %get3A_152 = vector.shape_cast %get3A_151 : vector<16xf32> to vector<16xf32>
        %add3A_153 = arith.constant 48 : i32
        %add3A_154 = arith.addi %mul3A_111, %add3A_153 : i32
        %swap3A_155 = arith.index_cast %add3A_154 : i32 to index
        %swap3A_156 = tpu.vector_load %arg5[%swap3A_155] {strides = array<i32>} : memref<49152xf32, #tpu.memory_space<vmem>>, vector<16xf32>,
        %swap3A_157 = vector.shape_cast %swap3A_156 : vector<16xf32> to vector<16xf32>
        %swap3A_158 = vector.shape_cast %get3A_152 : vector<16xf32> to vector<16xf32>
        tpu.vector_store %arg5[%swap3A_155], %swap3A_158 {strides = array<i32>} : memref<49152xf32, #tpu.memory_space<vmem>>, vector<16xf32>,
      } else {
      }
      %scan3A_109 = arith.constant 0 : i32
      scf.yield %scan3A_109 : i32
    }
    %scan3A_65 = arith.constant 40 : i32
    %scan3A_66 = arith.constant 0 : i32
    %scan3A_67 = arith.constant 0 : i32
    %scan3A_68 = arith.constant 40 : i32
    %scan3A_69 = arith.addi %scan3A_67, %scan3A_68 : i32
    %scan3A_70 = arith.constant 1 : i32
    %scan3A_71 = scf.for %scan3A_96 = %scan3A_67 to %scan3A_69 step %scan3A_70 iter_args(%scan3A_97 = %scan3A_66) -> (i32)  : i32 {
      %add3A_98 = arith.constant 384 : i32
      %add3A_99 = arith.addi %add3A_98, %scan3A_96 : i32
      %get3A = arith.index_cast %add3A_99 : i32 to index
      %get3A_100 = tpu.vector_load %arg7[%get3A] {strides = array<i32>} : memref<576xi32, #tpu.memory_space<vmem>>, vector<16xi32>,
      %get3A_101 = vector.shape_cast %get3A_100 : vector<16xi32> to vector<16xi32>
      %slice3A = vector.extract_strided_slice %get3A_101 {offsets = [0], sizes = [1], strides = [1]} : vector<16xi32> to vector<1xi32>
      %squeeze3A = vector.extract %slice3A[0] : i32 from vector<1xi32>
      %mul3A_102 = arith.constant 12 : i32
      %mul3A_103 = arith.muli %squeeze3A, %mul3A_102 : i32
      %add3A_104 = arith.constant 8 : i32
      %add3A_105 = arith.addi %mul3A_103, %add3A_104 : i32
      %ge3A = arith.cmpi sge, %add3A_105, %mul3A_2 : i32
      %add3A_106 = arith.constant 768 : i32
      %add3A_107 = arith.addi %mul3A_2, %add3A_106 : i32
      %lt3A = arith.cmpi slt, %add3A_105, %add3A_107 : i32
      %and3A = arith.andi %ge3A, %lt3A : i1
      %convert_element_type3A = arith.extui %and3A : i1 to i32
      %cond3A = arith.constant 0 : i32
      %cond3A_108 = arith.cmpi ne, %convert_element_type3A, %cond3A : i32
      scf.if %cond3A_108 {
        %sub3A = arith.subi %add3A_105, %mul3A_2 : i32
        %mul3A_110 = arith.constant 64 : i32
        %mul3A_111 = arith.muli %sub3A, %mul3A_110 : i32
        %add3A_112 = arith.constant 384 : i32
        %add3A_113 = arith.addi %add3A_112, %scan3A_96 : i32
        %mul3A_114 = arith.constant 64 : i32
        %mul3A_115 = arith.muli %add3A_113, %mul3A_114 : i32
        %add3A_116 = arith.constant 0 : i32
        %add3A_117 = arith.addi %mul3A_115, %add3A_116 : i32
        %get3A_118 = arith.index_cast %add3A_117 : i32 to index
        %get3A_119 = tpu.vector_load %arg6[%get3A_118] {strides = array<i32>} : memref<36864xf32, #tpu.memory_space<vmem>>, vector<16xf32>,
        %get3A_120 = vector.shape_cast %get3A_119 : vector<16xf32> to vector<16xf32>
        %add3A_121 = arith.constant 0 : i32
        %add3A_122 = arith.addi %mul3A_111, %add3A_121 : i32
        %swap3A = arith.index_cast %add3A_122 : i32 to index
        %swap3A_123 = tpu.vector_load %arg5[%swap3A] {strides = array<i32>} : memref<49152xf32, #tpu.memory_space<vmem>>, vector<16xf32>,
        %swap3A_124 = vector.shape_cast %swap3A_123 : vector<16xf32> to vector<16xf32>
        %swap3A_125 = vector.shape_cast %get3A_120 : vector<16xf32> to vector<16xf32>
        tpu.vector_store %arg5[%swap3A], %swap3A_125 {strides = array<i32>} : memref<49152xf32, #tpu.memory_space<vmem>>, vector<16xf32>,
        %add3A_126 = arith.constant 16 : i32
        %add3A_127 = arith.addi %mul3A_115, %add3A_126 : i32
        %get3A_128 = arith.index_cast %add3A_127 : i32 to index
        %get3A_129 = tpu.vector_load %arg6[%get3A_128] {strides = array<i32>} : memref<36864xf32, #tpu.memory_space<vmem>>, vector<16xf32>,
        %get3A_130 = vector.shape_cast %get3A_129 : vector<16xf32> to vector<16xf32>
        %add3A_131 = arith.constant 16 : i32
        %add3A_132 = arith.addi %mul3A_111, %add3A_131 : i32
        %swap3A_133 = arith.index_cast %add3A_132 : i32 to index
        %swap3A_134 = tpu.vector_load %arg5[%swap3A_133] {strides = array<i32>} : memref<49152xf32, #tpu.memory_space<vmem>>, vector<16xf32>,
        %swap3A_135 = vector.shape_cast %swap3A_134 : vector<16xf32> to vector<16xf32>
        %swap3A_136 = vector.shape_cast %get3A_130 : vector<16xf32> to vector<16xf32>
        tpu.vector_store %arg5[%swap3A_133], %swap3A_136 {strides = array<i32>} : memref<49152xf32, #tpu.memory_space<vmem>>, vector<16xf32>,
        %add3A_137 = arith.constant 32 : i32
        %add3A_138 = arith.addi %mul3A_115, %add3A_137 : i32
        %get3A_139 = arith.index_cast %add3A_138 : i32 to index
        %get3A_140 = tpu.vector_load %arg6[%get3A_139] {strides = array<i32>} : memref<36864xf32, #tpu.memory_space<vmem>>, vector<16xf32>,
        %get3A_141 = vector.shape_cast %get3A_140 : vector<16xf32> to vector<16xf32>
        %add3A_142 = arith.constant 32 : i32
        %add3A_143 = arith.addi %mul3A_111, %add3A_142 : i32
        %swap3A_144 = arith.index_cast %add3A_143 : i32 to index
        %swap3A_145 = tpu.vector_load %arg5[%swap3A_144] {strides = array<i32>} : memref<49152xf32, #tpu.memory_space<vmem>>, vector<16xf32>,
        %swap3A_146 = vector.shape_cast %swap3A_145 : vector<16xf32> to vector<16xf32>
        %swap3A_147 = vector.shape_cast %get3A_141 : vector<16xf32> to vector<16xf32>
        tpu.vector_store %arg5[%swap3A_144], %swap3A_147 {strides = array<i32>} : memref<49152xf32, #tpu.memory_space<vmem>>, vector<16xf32>,
        %add3A_148 = arith.constant 48 : i32
        %add3A_149 = arith.addi %mul3A_115, %add3A_148 : i32
        %get3A_150 = arith.index_cast %add3A_149 : i32 to index
        %get3A_151 = tpu.vector_load %arg6[%get3A_150] {strides = array<i32>} : memref<36864xf32, #tpu.memory_space<vmem>>, vector<16xf32>,
        %get3A_152 = vector.shape_cast %get3A_151 : vector<16xf32> to vector<16xf32>
        %add3A_153 = arith.constant 48 : i32
        %add3A_154 = arith.addi %mul3A_111, %add3A_153 : i32
        %swap3A_155 = arith.index_cast %add3A_154 : i32 to index
        %swap3A_156 = tpu.vector_load %arg5[%swap3A_155] {strides = array<i32>} : memref<49152xf32, #tpu.memory_space<vmem>>, vector<16xf32>,
        %swap3A_157 = vector.shape_cast %swap3A_156 : vector<16xf32> to vector<16xf32>
        %swap3A_158 = vector.shape_cast %get3A_152 : vector<16xf32> to vector<16xf32>
        tpu.vector_store %arg5[%swap3A_155], %swap3A_158 {strides = array<i32>} : memref<49152xf32, #tpu.memory_space<vmem>>, vector<16xf32>,
      } else {
      }
      %scan3A_109 = arith.constant 0 : i32
      scf.yield %scan3A_109 : i32
    }
    %scan3A_72 = arith.constant 40 : i32
    %scan3A_73 = arith.constant 0 : i32
    %scan3A_74 = arith.constant 0 : i32
    %scan3A_75 = arith.constant 40 : i32
    %scan3A_76 = arith.addi %scan3A_74, %scan3A_75 : i32
    %scan3A_77 = arith.constant 1 : i32
    %scan3A_78 = scf.for %scan3A_96 = %scan3A_74 to %scan3A_76 step %scan3A_77 iter_args(%scan3A_97 = %scan3A_73) -> (i32)  : i32 {
      %add3A_98 = arith.constant 432 : i32
      %add3A_99 = arith.addi %add3A_98, %scan3A_96 : i32
      %get3A = arith.index_cast %add3A_99 : i32 to index
      %get3A_100 = tpu.vector_load %arg7[%get3A] {strides = array<i32>} : memref<576xi32, #tpu.memory_space<vmem>>, vector<16xi32>,
      %get3A_101 = vector.shape_cast %get3A_100 : vector<16xi32> to vector<16xi32>
      %slice3A = vector.extract_strided_slice %get3A_101 {offsets = [0], sizes = [1], strides = [1]} : vector<16xi32> to vector<1xi32>
      %squeeze3A = vector.extract %slice3A[0] : i32 from vector<1xi32>
      %mul3A_102 = arith.constant 12 : i32
      %mul3A_103 = arith.muli %squeeze3A, %mul3A_102 : i32
      %add3A_104 = arith.constant 9 : i32
      %add3A_105 = arith.addi %mul3A_103, %add3A_104 : i32
      %ge3A = arith.cmpi sge, %add3A_105, %mul3A_2 : i32
      %add3A_106 = arith.constant 768 : i32
      %add3A_107 = arith.addi %mul3A_2, %add3A_106 : i32
      %lt3A = arith.cmpi slt, %add3A_105, %add3A_107 : i32
      %and3A = arith.andi %ge3A, %lt3A : i1
      %convert_element_type3A = arith.extui %and3A : i1 to i32
      %cond3A = arith.constant 0 : i32
      %cond3A_108 = arith.cmpi ne, %convert_element_type3A, %cond3A : i32
      scf.if %cond3A_108 {
        %sub3A = arith.subi %add3A_105, %mul3A_2 : i32
        %mul3A_110 = arith.constant 64 : i32
        %mul3A_111 = arith.muli %sub3A, %mul3A_110 : i32
        %add3A_112 = arith.constant 432 : i32
        %add3A_113 = arith.addi %add3A_112, %scan3A_96 : i32
        %mul3A_114 = arith.constant 64 : i32
        %mul3A_115 = arith.muli %add3A_113, %mul3A_114 : i32
        %add3A_116 = arith.constant 0 : i32
        %add3A_117 = arith.addi %mul3A_115, %add3A_116 : i32
        %get3A_118 = arith.index_cast %add3A_117 : i32 to index
        %get3A_119 = tpu.vector_load %arg6[%get3A_118] {strides = array<i32>} : memref<36864xf32, #tpu.memory_space<vmem>>, vector<16xf32>,
        %get3A_120 = vector.shape_cast %get3A_119 : vector<16xf32> to vector<16xf32>
        %add3A_121 = arith.constant 0 : i32
        %add3A_122 = arith.addi %mul3A_111, %add3A_121 : i32
        %swap3A = arith.index_cast %add3A_122 : i32 to index
        %swap3A_123 = tpu.vector_load %arg5[%swap3A] {strides = array<i32>} : memref<49152xf32, #tpu.memory_space<vmem>>, vector<16xf32>,
        %swap3A_124 = vector.shape_cast %swap3A_123 : vector<16xf32> to vector<16xf32>
        %swap3A_125 = vector.shape_cast %get3A_120 : vector<16xf32> to vector<16xf32>
        tpu.vector_store %arg5[%swap3A], %swap3A_125 {strides = array<i32>} : memref<49152xf32, #tpu.memory_space<vmem>>, vector<16xf32>,
        %add3A_126 = arith.constant 16 : i32
        %add3A_127 = arith.addi %mul3A_115, %add3A_126 : i32
        %get3A_128 = arith.index_cast %add3A_127 : i32 to index
        %get3A_129 = tpu.vector_load %arg6[%get3A_128] {strides = array<i32>} : memref<36864xf32, #tpu.memory_space<vmem>>, vector<16xf32>,
        %get3A_130 = vector.shape_cast %get3A_129 : vector<16xf32> to vector<16xf32>
        %add3A_131 = arith.constant 16 : i32
        %add3A_132 = arith.addi %mul3A_111, %add3A_131 : i32
        %swap3A_133 = arith.index_cast %add3A_132 : i32 to index
        %swap3A_134 = tpu.vector_load %arg5[%swap3A_133] {strides = array<i32>} : memref<49152xf32, #tpu.memory_space<vmem>>, vector<16xf32>,
        %swap3A_135 = vector.shape_cast %swap3A_134 : vector<16xf32> to vector<16xf32>
        %swap3A_136 = vector.shape_cast %get3A_130 : vector<16xf32> to vector<16xf32>
        tpu.vector_store %arg5[%swap3A_133], %swap3A_136 {strides = array<i32>} : memref<49152xf32, #tpu.memory_space<vmem>>, vector<16xf32>,
        %add3A_137 = arith.constant 32 : i32
        %add3A_138 = arith.addi %mul3A_115, %add3A_137 : i32
        %get3A_139 = arith.index_cast %add3A_138 : i32 to index
        %get3A_140 = tpu.vector_load %arg6[%get3A_139] {strides = array<i32>} : memref<36864xf32, #tpu.memory_space<vmem>>, vector<16xf32>,
        %get3A_141 = vector.shape_cast %get3A_140 : vector<16xf32> to vector<16xf32>
        %add3A_142 = arith.constant 32 : i32
        %add3A_143 = arith.addi %mul3A_111, %add3A_142 : i32
        %swap3A_144 = arith.index_cast %add3A_143 : i32 to index
        %swap3A_145 = tpu.vector_load %arg5[%swap3A_144] {strides = array<i32>} : memref<49152xf32, #tpu.memory_space<vmem>>, vector<16xf32>,
        %swap3A_146 = vector.shape_cast %swap3A_145 : vector<16xf32> to vector<16xf32>
        %swap3A_147 = vector.shape_cast %get3A_141 : vector<16xf32> to vector<16xf32>
        tpu.vector_store %arg5[%swap3A_144], %swap3A_147 {strides = array<i32>} : memref<49152xf32, #tpu.memory_space<vmem>>, vector<16xf32>,
        %add3A_148 = arith.constant 48 : i32
        %add3A_149 = arith.addi %mul3A_115, %add3A_148 : i32
        %get3A_150 = arith.index_cast %add3A_149 : i32 to index
        %get3A_151 = tpu.vector_load %arg6[%get3A_150] {strides = array<i32>} : memref<36864xf32, #tpu.memory_space<vmem>>, vector<16xf32>,
        %get3A_152 = vector.shape_cast %get3A_151 : vector<16xf32> to vector<16xf32>
        %add3A_153 = arith.constant 48 : i32
        %add3A_154 = arith.addi %mul3A_111, %add3A_153 : i32
        %swap3A_155 = arith.index_cast %add3A_154 : i32 to index
        %swap3A_156 = tpu.vector_load %arg5[%swap3A_155] {strides = array<i32>} : memref<49152xf32, #tpu.memory_space<vmem>>, vector<16xf32>,
        %swap3A_157 = vector.shape_cast %swap3A_156 : vector<16xf32> to vector<16xf32>
        %swap3A_158 = vector.shape_cast %get3A_152 : vector<16xf32> to vector<16xf32>
        tpu.vector_store %arg5[%swap3A_155], %swap3A_158 {strides = array<i32>} : memref<49152xf32, #tpu.memory_space<vmem>>, vector<16xf32>,
      } else {
      }
      %scan3A_109 = arith.constant 0 : i32
      scf.yield %scan3A_109 : i32
    }
    %scan3A_79 = arith.constant 40 : i32
    %scan3A_80 = arith.constant 0 : i32
    %scan3A_81 = arith.constant 0 : i32
    %scan3A_82 = arith.constant 40 : i32
    %scan3A_83 = arith.addi %scan3A_81, %scan3A_82 : i32
    %scan3A_84 = arith.constant 1 : i32
    %scan3A_85 = scf.for %scan3A_96 = %scan3A_81 to %scan3A_83 step %scan3A_84 iter_args(%scan3A_97 = %scan3A_80) -> (i32)  : i32 {
      %add3A_98 = arith.constant 480 : i32
      %add3A_99 = arith.addi %add3A_98, %scan3A_96 : i32
      %get3A = arith.index_cast %add3A_99 : i32 to index
      %get3A_100 = tpu.vector_load %arg7[%get3A] {strides = array<i32>} : memref<576xi32, #tpu.memory_space<vmem>>, vector<16xi32>,
      %get3A_101 = vector.shape_cast %get3A_100 : vector<16xi32> to vector<16xi32>
      %slice3A = vector.extract_strided_slice %get3A_101 {offsets = [0], sizes = [1], strides = [1]} : vector<16xi32> to vector<1xi32>
      %squeeze3A = vector.extract %slice3A[0] : i32 from vector<1xi32>
      %mul3A_102 = arith.constant 12 : i32
      %mul3A_103 = arith.muli %squeeze3A, %mul3A_102 : i32
      %add3A_104 = arith.constant 10 : i32
      %add3A_105 = arith.addi %mul3A_103, %add3A_104 : i32
      %ge3A = arith.cmpi sge, %add3A_105, %mul3A_2 : i32
      %add3A_106 = arith.constant 768 : i32
      %add3A_107 = arith.addi %mul3A_2, %add3A_106 : i32
      %lt3A = arith.cmpi slt, %add3A_105, %add3A_107 : i32
      %and3A = arith.andi %ge3A, %lt3A : i1
      %convert_element_type3A = arith.extui %and3A : i1 to i32
      %cond3A = arith.constant 0 : i32
      %cond3A_108 = arith.cmpi ne, %convert_element_type3A, %cond3A : i32
      scf.if %cond3A_108 {
        %sub3A = arith.subi %add3A_105, %mul3A_2 : i32
        %mul3A_110 = arith.constant 64 : i32
        %mul3A_111 = arith.muli %sub3A, %mul3A_110 : i32
        %add3A_112 = arith.constant 480 : i32
        %add3A_113 = arith.addi %add3A_112, %scan3A_96 : i32
        %mul3A_114 = arith.constant 64 : i32
        %mul3A_115 = arith.muli %add3A_113, %mul3A_114 : i32
        %add3A_116 = arith.constant 0 : i32
        %add3A_117 = arith.addi %mul3A_115, %add3A_116 : i32
        %get3A_118 = arith.index_cast %add3A_117 : i32 to index
        %get3A_119 = tpu.vector_load %arg6[%get3A_118] {strides = array<i32>} : memref<36864xf32, #tpu.memory_space<vmem>>, vector<16xf32>,
        %get3A_120 = vector.shape_cast %get3A_119 : vector<16xf32> to vector<16xf32>
        %add3A_121 = arith.constant 0 : i32
        %add3A_122 = arith.addi %mul3A_111, %add3A_121 : i32
        %swap3A = arith.index_cast %add3A_122 : i32 to index
        %swap3A_123 = tpu.vector_load %arg5[%swap3A] {strides = array<i32>} : memref<49152xf32, #tpu.memory_space<vmem>>, vector<16xf32>,
        %swap3A_124 = vector.shape_cast %swap3A_123 : vector<16xf32> to vector<16xf32>
        %swap3A_125 = vector.shape_cast %get3A_120 : vector<16xf32> to vector<16xf32>
        tpu.vector_store %arg5[%swap3A], %swap3A_125 {strides = array<i32>} : memref<49152xf32, #tpu.memory_space<vmem>>, vector<16xf32>,
        %add3A_126 = arith.constant 16 : i32
        %add3A_127 = arith.addi %mul3A_115, %add3A_126 : i32
        %get3A_128 = arith.index_cast %add3A_127 : i32 to index
        %get3A_129 = tpu.vector_load %arg6[%get3A_128] {strides = array<i32>} : memref<36864xf32, #tpu.memory_space<vmem>>, vector<16xf32>,
        %get3A_130 = vector.shape_cast %get3A_129 : vector<16xf32> to vector<16xf32>
        %add3A_131 = arith.constant 16 : i32
        %add3A_132 = arith.addi %mul3A_111, %add3A_131 : i32
        %swap3A_133 = arith.index_cast %add3A_132 : i32 to index
        %swap3A_134 = tpu.vector_load %arg5[%swap3A_133] {strides = array<i32>} : memref<49152xf32, #tpu.memory_space<vmem>>, vector<16xf32>,
        %swap3A_135 = vector.shape_cast %swap3A_134 : vector<16xf32> to vector<16xf32>
        %swap3A_136 = vector.shape_cast %get3A_130 : vector<16xf32> to vector<16xf32>
        tpu.vector_store %arg5[%swap3A_133], %swap3A_136 {strides = array<i32>} : memref<49152xf32, #tpu.memory_space<vmem>>, vector<16xf32>,
        %add3A_137 = arith.constant 32 : i32
        %add3A_138 = arith.addi %mul3A_115, %add3A_137 : i32
        %get3A_139 = arith.index_cast %add3A_138 : i32 to index
        %get3A_140 = tpu.vector_load %arg6[%get3A_139] {strides = array<i32>} : memref<36864xf32, #tpu.memory_space<vmem>>, vector<16xf32>,
        %get3A_141 = vector.shape_cast %get3A_140 : vector<16xf32> to vector<16xf32>
        %add3A_142 = arith.constant 32 : i32
        %add3A_143 = arith.addi %mul3A_111, %add3A_142 : i32
        %swap3A_144 = arith.index_cast %add3A_143 : i32 to index
        %swap3A_145 = tpu.vector_load %arg5[%swap3A_144] {strides = array<i32>} : memref<49152xf32, #tpu.memory_space<vmem>>, vector<16xf32>,
        %swap3A_146 = vector.shape_cast %swap3A_145 : vector<16xf32> to vector<16xf32>
        %swap3A_147 = vector.shape_cast %get3A_141 : vector<16xf32> to vector<16xf32>
        tpu.vector_store %arg5[%swap3A_144], %swap3A_147 {strides = array<i32>} : memref<49152xf32, #tpu.memory_space<vmem>>, vector<16xf32>,
        %add3A_148 = arith.constant 48 : i32
        %add3A_149 = arith.addi %mul3A_115, %add3A_148 : i32
        %get3A_150 = arith.index_cast %add3A_149 : i32 to index
        %get3A_151 = tpu.vector_load %arg6[%get3A_150] {strides = array<i32>} : memref<36864xf32, #tpu.memory_space<vmem>>, vector<16xf32>,
        %get3A_152 = vector.shape_cast %get3A_151 : vector<16xf32> to vector<16xf32>
        %add3A_153 = arith.constant 48 : i32
        %add3A_154 = arith.addi %mul3A_111, %add3A_153 : i32
        %swap3A_155 = arith.index_cast %add3A_154 : i32 to index
        %swap3A_156 = tpu.vector_load %arg5[%swap3A_155] {strides = array<i32>} : memref<49152xf32, #tpu.memory_space<vmem>>, vector<16xf32>,
        %swap3A_157 = vector.shape_cast %swap3A_156 : vector<16xf32> to vector<16xf32>
        %swap3A_158 = vector.shape_cast %get3A_152 : vector<16xf32> to vector<16xf32>
        tpu.vector_store %arg5[%swap3A_155], %swap3A_158 {strides = array<i32>} : memref<49152xf32, #tpu.memory_space<vmem>>, vector<16xf32>,
      } else {
      }
      %scan3A_109 = arith.constant 0 : i32
      scf.yield %scan3A_109 : i32
    }
    %scan3A_86 = arith.constant 40 : i32
    %scan3A_87 = arith.constant 0 : i32
    %scan3A_88 = arith.constant 0 : i32
    %scan3A_89 = arith.constant 40 : i32
    %scan3A_90 = arith.addi %scan3A_88, %scan3A_89 : i32
    %scan3A_91 = arith.constant 1 : i32
    %scan3A_92 = scf.for %scan3A_96 = %scan3A_88 to %scan3A_90 step %scan3A_91 iter_args(%scan3A_97 = %scan3A_87) -> (i32)  : i32 {
      %add3A_98 = arith.constant 528 : i32
      %add3A_99 = arith.addi %add3A_98, %scan3A_96 : i32
      %get3A = arith.index_cast %add3A_99 : i32 to index
      %get3A_100 = tpu.vector_load %arg7[%get3A] {strides = array<i32>} : memref<576xi32, #tpu.memory_space<vmem>>, vector<16xi32>,
      %get3A_101 = vector.shape_cast %get3A_100 : vector<16xi32> to vector<16xi32>
      %slice3A = vector.extract_strided_slice %get3A_101 {offsets = [0], sizes = [1], strides = [1]} : vector<16xi32> to vector<1xi32>
      %squeeze3A = vector.extract %slice3A[0] : i32 from vector<1xi32>
      %mul3A_102 = arith.constant 12 : i32
      %mul3A_103 = arith.muli %squeeze3A, %mul3A_102 : i32
      %add3A_104 = arith.constant 11 : i32
      %add3A_105 = arith.addi %mul3A_103, %add3A_104 : i32
      %ge3A = arith.cmpi sge, %add3A_105, %mul3A_2 : i32
      %add3A_106 = arith.constant 768 : i32
      %add3A_107 = arith.addi %mul3A_2, %add3A_106 : i32
      %lt3A = arith.cmpi slt, %add3A_105, %add3A_107 : i32
      %and3A = arith.andi %ge3A, %lt3A : i1
      %convert_element_type3A = arith.extui %and3A : i1 to i32
      %cond3A = arith.constant 0 : i32
      %cond3A_108 = arith.cmpi ne, %convert_element_type3A, %cond3A : i32
      scf.if %cond3A_108 {
        %sub3A = arith.subi %add3A_105, %mul3A_2 : i32
        %mul3A_110 = arith.constant 64 : i32
        %mul3A_111 = arith.muli %sub3A, %mul3A_110 : i32
        %add3A_112 = arith.constant 528 : i32
        %add3A_113 = arith.addi %add3A_112, %scan3A_96 : i32
        %mul3A_114 = arith.constant 64 : i32
        %mul3A_115 = arith.muli %add3A_113, %mul3A_114 : i32
        %add3A_116 = arith.constant 0 : i32
        %add3A_117 = arith.addi %mul3A_115, %add3A_116 : i32
        %get3A_118 = arith.index_cast %add3A_117 : i32 to index
        %get3A_119 = tpu.vector_load %arg6[%get3A_118] {strides = array<i32>} : memref<36864xf32, #tpu.memory_space<vmem>>, vector<16xf32>,
        %get3A_120 = vector.shape_cast %get3A_119 : vector<16xf32> to vector<16xf32>
        %add3A_121 = arith.constant 0 : i32
        %add3A_122 = arith.addi %mul3A_111, %add3A_121 : i32
        %swap3A = arith.index_cast %add3A_122 : i32 to index
        %swap3A_123 = tpu.vector_load %arg5[%swap3A] {strides = array<i32>} : memref<49152xf32, #tpu.memory_space<vmem>>, vector<16xf32>,
        %swap3A_124 = vector.shape_cast %swap3A_123 : vector<16xf32> to vector<16xf32>
        %swap3A_125 = vector.shape_cast %get3A_120 : vector<16xf32> to vector<16xf32>
        tpu.vector_store %arg5[%swap3A], %swap3A_125 {strides = array<i32>} : memref<49152xf32, #tpu.memory_space<vmem>>, vector<16xf32>,
        %add3A_126 = arith.constant 16 : i32
        %add3A_127 = arith.addi %mul3A_115, %add3A_126 : i32
        %get3A_128 = arith.index_cast %add3A_127 : i32 to index
        %get3A_129 = tpu.vector_load %arg6[%get3A_128] {strides = array<i32>} : memref<36864xf32, #tpu.memory_space<vmem>>, vector<16xf32>,
        %get3A_130 = vector.shape_cast %get3A_129 : vector<16xf32> to vector<16xf32>
        %add3A_131 = arith.constant 16 : i32
        %add3A_132 = arith.addi %mul3A_111, %add3A_131 : i32
        %swap3A_133 = arith.index_cast %add3A_132 : i32 to index
        %swap3A_134 = tpu.vector_load %arg5[%swap3A_133] {strides = array<i32>} : memref<49152xf32, #tpu.memory_space<vmem>>, vector<16xf32>,
        %swap3A_135 = vector.shape_cast %swap3A_134 : vector<16xf32> to vector<16xf32>
        %swap3A_136 = vector.shape_cast %get3A_130 : vector<16xf32> to vector<16xf32>
        tpu.vector_store %arg5[%swap3A_133], %swap3A_136 {strides = array<i32>} : memref<49152xf32, #tpu.memory_space<vmem>>, vector<16xf32>,
        %add3A_137 = arith.constant 32 : i32
        %add3A_138 = arith.addi %mul3A_115, %add3A_137 : i32
        %get3A_139 = arith.index_cast %add3A_138 : i32 to index
        %get3A_140 = tpu.vector_load %arg6[%get3A_139] {strides = array<i32>} : memref<36864xf32, #tpu.memory_space<vmem>>, vector<16xf32>,
        %get3A_141 = vector.shape_cast %get3A_140 : vector<16xf32> to vector<16xf32>
        %add3A_142 = arith.constant 32 : i32
        %add3A_143 = arith.addi %mul3A_111, %add3A_142 : i32
        %swap3A_144 = arith.index_cast %add3A_143 : i32 to index
        %swap3A_145 = tpu.vector_load %arg5[%swap3A_144] {strides = array<i32>} : memref<49152xf32, #tpu.memory_space<vmem>>, vector<16xf32>,
        %swap3A_146 = vector.shape_cast %swap3A_145 : vector<16xf32> to vector<16xf32>
        %swap3A_147 = vector.shape_cast %get3A_141 : vector<16xf32> to vector<16xf32>
        tpu.vector_store %arg5[%swap3A_144], %swap3A_147 {strides = array<i32>} : memref<49152xf32, #tpu.memory_space<vmem>>, vector<16xf32>,
        %add3A_148 = arith.constant 48 : i32
        %add3A_149 = arith.addi %mul3A_115, %add3A_148 : i32
        %get3A_150 = arith.index_cast %add3A_149 : i32 to index
        %get3A_151 = tpu.vector_load %arg6[%get3A_150] {strides = array<i32>} : memref<36864xf32, #tpu.memory_space<vmem>>, vector<16xf32>,
        %get3A_152 = vector.shape_cast %get3A_151 : vector<16xf32> to vector<16xf32>
        %add3A_153 = arith.constant 48 : i32
        %add3A_154 = arith.addi %mul3A_111, %add3A_153 : i32
        %swap3A_155 = arith.index_cast %add3A_154 : i32 to index
        %swap3A_156 = tpu.vector_load %arg5[%swap3A_155] {strides = array<i32>} : memref<49152xf32, #tpu.memory_space<vmem>>, vector<16xf32>,
        %swap3A_157 = vector.shape_cast %swap3A_156 : vector<16xf32> to vector<16xf32>
        %swap3A_158 = vector.shape_cast %get3A_152 : vector<16xf32> to vector<16xf32>
        tpu.vector_store %arg5[%swap3A_155], %swap3A_158 {strides = array<i32>} : memref<49152xf32, #tpu.memory_space<vmem>>, vector<16xf32>,
      } else {
      }
      %scan3A_109 = arith.constant 0 : i32
      scf.yield %scan3A_109 : i32
    }
    %scan3A_93 = arith.constant 40 : i32
    %mul3A_94 = arith.constant 64 : i32
    %mul3A_95 = arith.muli %mul3A_2, %mul3A_94 : i32
    "tpu.region"() ({
      %run_scoped3A = tpu.sem_alloc : memref<!tpu.dma_semaphore, #tpu.memory_space<semaphore_mem>>
      %dma_start3A = tpu.memref_slice %arg4[%mul3A_95] : memref<1572864xf32, #tpu.memory_space<hbm>> -> memref<49152xf32, #tpu.memory_space<hbm>>
      %dma_start3A_96 = tpu.memref_slice %arg4[%mul3A_95] : memref<1572864xf32, #tpu.memory_space<hbm>> -> memref<49152xf32, #tpu.memory_space<hbm>>
      tpu.enqueue_dma source(%arg5 : memref<49152xf32, #tpu.memory_space<vmem>>) target(%dma_start3A_96 : memref<49152xf32, #tpu.memory_space<hbm>>) target_semaphore(%run_scoped3A : memref<!tpu.dma_semaphore, #tpu.memory_space<semaphore_mem>>)
      %dma_wait3A = tpu.memref_slice %arg4[%mul3A_95] : memref<1572864xf32, #tpu.memory_space<hbm>> -> memref<49152xf32, #tpu.memory_space<hbm>>
      %dma_wait3A_97 = tpu.memref_slice %arg4[%mul3A_95] : memref<1572864xf32, #tpu.memory_space<hbm>> -> memref<49152xf32, #tpu.memory_space<hbm>>
      tpu.wait_dma2 semaphore(%run_scoped3A : memref<!tpu.dma_semaphore, #tpu.memory_space<semaphore_mem>>) src(%arg5 : memref<49152xf32, #tpu.memory_space<vmem>>) dst(%dma_wait3A_97 : memref<49152xf32, #tpu.memory_space<hbm>>)
      tpu.yield
    }) : () -> ()
    return
  }
}

#map = affine_map<(d0, d1) -> (0, 0)>
module attributes {stable_mosaic.version = 14 : i64} {
  func.func @_sc_topk_body(%arg0: i32, %arg1: i32, %arg2: memref<12x2048xf32, #tpu.memory_space<hbm>>, %arg3: memref<12x48xi32, #tpu.memory_space<hbm>>, %arg4: memref<2048xf32, #tpu.memory_space<vmem>>, %arg5: memref<48xi32, #tpu.memory_space<vmem>>, %arg6: memref<32xf32, #tpu.memory_space<vmem>>, %arg7: memref<32xi32, #tpu.memory_space<vmem>>) attributes {dimension_semantics = [#tpu.dimension_semantics<core_parallel>, #tpu.dimension_semantics<subcore_parallel>], iteration_bounds = array<i64: 2, 16>, scalar_prefetch = 0 : i64, scratch_operands = 4 : i64, tpu.core_type = #tpu.core_type<sc_vector_subcore>, window_params = [{transform_indices = #map}, {transform_indices = #map}]} {
    %mul3A = arith.constant 2 : i32
    %mul3A_0 = arith.muli %arg1, %mul3A : i32
    %add3A = arith.addi %mul3A_0, %arg0 : i32
    %lt3A = arith.constant 12 : i32
    %lt3A_1 = arith.cmpi slt, %add3A, %lt3A : i32
    %convert_element_type3A = arith.extui %lt3A_1 : i1 to i32
    %cond3A = arith.constant 0 : i32
    %cond3A_2 = arith.cmpi ne, %convert_element_type3A, %cond3A : i32
    scf.if %cond3A_2 {
      "tpu.region"() ({
        %run_scoped3A = tpu.sem_alloc : memref<!tpu.dma_semaphore, #tpu.memory_space<semaphore_mem>>
        %dma_start3A = arith.constant 0 : i32
        %dma_start3A_37 = tpu.memref_slice %arg2[%add3A, %dma_start3A] : memref<12x2048xf32, #tpu.memory_space<hbm>> -> memref<1x2048xf32, #tpu.memory_space<hbm>>
        %dma_start3A_38 = tpu.memref_squeeze %dma_start3A_37 : memref<1x2048xf32, #tpu.memory_space<hbm>> -> memref<2048xf32, #tpu.memory_space<hbm>>
        %dma_start3A_39 = arith.constant 0 : i32
        %dma_start3A_40 = tpu.memref_slice %arg2[%add3A, %dma_start3A_39] : memref<12x2048xf32, #tpu.memory_space<hbm>> -> memref<1x2048xf32, #tpu.memory_space<hbm>>
        %dma_start3A_41 = tpu.memref_squeeze %dma_start3A_40 : memref<1x2048xf32, #tpu.memory_space<hbm>> -> memref<2048xf32, #tpu.memory_space<hbm>>
        tpu.enqueue_dma source(%dma_start3A_41 : memref<2048xf32, #tpu.memory_space<hbm>>) target(%arg4 : memref<2048xf32, #tpu.memory_space<vmem>>) target_semaphore(%run_scoped3A : memref<!tpu.dma_semaphore, #tpu.memory_space<semaphore_mem>>)
        %dma_wait3A = arith.constant 0 : i32
        %dma_wait3A_42 = tpu.memref_slice %arg2[%add3A, %dma_wait3A] : memref<12x2048xf32, #tpu.memory_space<hbm>> -> memref<1x2048xf32, #tpu.memory_space<hbm>>
        %dma_wait3A_43 = tpu.memref_squeeze %dma_wait3A_42 : memref<1x2048xf32, #tpu.memory_space<hbm>> -> memref<2048xf32, #tpu.memory_space<hbm>>
        %dma_wait3A_44 = arith.constant 0 : i32
        %dma_wait3A_45 = tpu.memref_slice %arg2[%add3A, %dma_wait3A_44] : memref<12x2048xf32, #tpu.memory_space<hbm>> -> memref<1x2048xf32, #tpu.memory_space<hbm>>
        %dma_wait3A_46 = tpu.memref_squeeze %dma_wait3A_45 : memref<1x2048xf32, #tpu.memory_space<hbm>> -> memref<2048xf32, #tpu.memory_space<hbm>>
        tpu.wait_dma2 semaphore(%run_scoped3A : memref<!tpu.dma_semaphore, #tpu.memory_space<semaphore_mem>>) src(%dma_wait3A_46 : memref<2048xf32, #tpu.memory_space<hbm>>) dst(%arg4 : memref<2048xf32, #tpu.memory_space<vmem>>)
        tpu.yield
      }) : () -> ()
      %iota3A = tpu.iota {dimensions = array<i32: 0>} : vector<16xi32>
      %broadcast_in_dim3A = arith.constant -3.000000e+00 : f32
      %broadcast_in_dim3A_3 = vector.broadcast %broadcast_in_dim3A : f32 to vector<16xf32>
      %swap3A = arith.constant 16 : index
      %swap3A_4 = tpu.vector_load %arg6[%swap3A] {strides = array<i32>} : memref<32xf32, #tpu.memory_space<vmem>>, vector<16xf32>,
      %swap3A_5 = vector.shape_cast %swap3A_4 : vector<16xf32> to vector<16xf32>
      %swap3A_6 = vector.shape_cast %broadcast_in_dim3A_3 : vector<16xf32> to vector<16xf32>
      tpu.vector_store %arg6[%swap3A], %swap3A_6 {strides = array<i32>} : memref<32xf32, #tpu.memory_space<vmem>>, vector<16xf32>,
      %broadcast_in_dim3A_7 = arith.constant 1000000 : i32
      %broadcast_in_dim3A_8 = vector.broadcast %broadcast_in_dim3A_7 : i32 to vector<16xi32>
      %swap3A_9 = arith.constant 16 : index
      %swap3A_10 = tpu.vector_load %arg7[%swap3A_9] {strides = array<i32>} : memref<32xi32, #tpu.memory_space<vmem>>, vector<16xi32>,
      %swap3A_11 = vector.shape_cast %swap3A_10 : vector<16xi32> to vector<16xi32>
      %swap3A_12 = vector.shape_cast %broadcast_in_dim3A_8 : vector<16xi32> to vector<16xi32>
      tpu.vector_store %arg7[%swap3A_9], %swap3A_12 {strides = array<i32>} : memref<32xi32, #tpu.memory_space<vmem>>, vector<16xi32>,
      %broadcast_in_dim3A_13 = arith.constant 1000000 : i32
      %broadcast_in_dim3A_14 = vector.broadcast %broadcast_in_dim3A_13 : i32 to vector<16xi32>
      %swap3A_15 = arith.constant 0 : index
      %swap3A_16 = tpu.vector_load %arg5[%swap3A_15] {strides = array<i32>} : memref<48xi32, #tpu.memory_space<vmem>>, vector<16xi32>,
      %swap3A_17 = vector.shape_cast %swap3A_16 : vector<16xi32> to vector<16xi32>
      %swap3A_18 = vector.shape_cast %broadcast_in_dim3A_14 : vector<16xi32> to vector<16xi32>
      tpu.vector_store %arg5[%swap3A_15], %swap3A_18 {strides = array<i32>} : memref<48xi32, #tpu.memory_space<vmem>>, vector<16xi32>,
      %broadcast_in_dim3A_19 = arith.constant 1000000 : i32
      %broadcast_in_dim3A_20 = vector.broadcast %broadcast_in_dim3A_19 : i32 to vector<16xi32>
      %swap3A_21 = arith.constant 16 : index
      %swap3A_22 = tpu.vector_load %arg5[%swap3A_21] {strides = array<i32>} : memref<48xi32, #tpu.memory_space<vmem>>, vector<16xi32>,
      %swap3A_23 = vector.shape_cast %swap3A_22 : vector<16xi32> to vector<16xi32>
      %swap3A_24 = vector.shape_cast %broadcast_in_dim3A_20 : vector<16xi32> to vector<16xi32>
      tpu.vector_store %arg5[%swap3A_21], %swap3A_24 {strides = array<i32>} : memref<48xi32, #tpu.memory_space<vmem>>, vector<16xi32>,
      %broadcast_in_dim3A_25 = arith.constant 1000000 : i32
      %broadcast_in_dim3A_26 = vector.broadcast %broadcast_in_dim3A_25 : i32 to vector<16xi32>
      %swap3A_27 = arith.constant 32 : index
      %swap3A_28 = tpu.vector_load %arg5[%swap3A_27] {strides = array<i32>} : memref<48xi32, #tpu.memory_space<vmem>>, vector<16xi32>,
      %swap3A_29 = vector.shape_cast %swap3A_28 : vector<16xi32> to vector<16xi32>
      %swap3A_30 = vector.shape_cast %broadcast_in_dim3A_26 : vector<16xi32> to vector<16xi32>
      tpu.vector_store %arg5[%swap3A_27], %swap3A_30 {strides = array<i32>} : memref<48xi32, #tpu.memory_space<vmem>>, vector<16xi32>,
      %scan3A = arith.constant 0 : i32
      %scan3A_31 = arith.constant 0 : i32
      %scan3A_32 = arith.constant 40 : i32
      %scan3A_33 = arith.addi %scan3A_31, %scan3A_32 : i32
      %scan3A_34 = arith.constant 1 : i32
      %scan3A_35 = scf.for %scan3A_37 = %scan3A_31 to %scan3A_33 step %scan3A_34 iter_args(%scan3A_38 = %scan3A) -> (i32)  : i32 {
        %broadcast_in_dim3A_39 = arith.constant -2.000000e+00 : f32
        %broadcast_in_dim3A_40 = vector.broadcast %broadcast_in_dim3A_39 : f32 to vector<16xf32>
        %broadcast_in_dim3A_41 = arith.constant 0 : i32
        %broadcast_in_dim3A_42 = vector.broadcast %broadcast_in_dim3A_41 : i32 to vector<16xi32>
        %scan3A_43 = arith.constant 0 : i32
        %scan3A_44 = arith.constant 128 : i32
        %scan3A_45 = arith.addi %scan3A_43, %scan3A_44 : i32
        %scan3A_46 = arith.constant 4 : i32
        %scan3A_47:2 = scf.for %scan3A_142 = %scan3A_43 to %scan3A_45 step %scan3A_46 iter_args(%scan3A_143 = %broadcast_in_dim3A_40, %scan3A_144 = %broadcast_in_dim3A_42) -> (vector<16xf32>, vector<16xi32>)  : i32 {
          %mul3A_145 = arith.constant 16 : i32
          %mul3A_146 = arith.muli %scan3A_142, %mul3A_145 : i32
          %get3A_147 = arith.index_cast %mul3A_146 : i32 to index
          %get3A_148 = tpu.vector_load %arg4[%get3A_147] {strides = array<i32>} : memref<2048xf32, #tpu.memory_space<vmem>>, vector<16xf32>,
          %get3A_149 = vector.shape_cast %get3A_148 : vector<16xf32> to vector<16xf32>
          %gt3A = arith.cmpf ogt, %get3A_149, %scan3A_143 : vector<16xf32>
          %select_n3A_150 = arith.select %gt3A, %get3A_149, %scan3A_143 : vector<16xi1>, vector<16xf32>
          %mul3A_151 = arith.constant 16 : i32
          %mul3A_152 = arith.muli %scan3A_142, %mul3A_151 : i32
          %add3A_153 = vector.broadcast %mul3A_152 : i32 to vector<16xi32>
          %add3A_154 = arith.addi %add3A_153, %iota3A : vector<16xi32>
          %select_n3A_155 = arith.select %gt3A, %add3A_154, %scan3A_144 : vector<16xi1>, vector<16xi32>
          %scan3A_156 = arith.constant 1 : i32
          %scan3A_157 = arith.addi %scan3A_142, %scan3A_156 : i32
          %mul3A_158 = arith.constant 16 : i32
          %mul3A_159 = arith.muli %scan3A_157, %mul3A_158 : i32
          %get3A_160 = arith.index_cast %mul3A_159 : i32 to index
          %get3A_161 = tpu.vector_load %arg4[%get3A_160] {strides = array<i32>} : memref<2048xf32, #tpu.memory_space<vmem>>, vector<16xf32>,
          %get3A_162 = vector.shape_cast %get3A_161 : vector<16xf32> to vector<16xf32>
          %gt3A_163 = arith.cmpf ogt, %get3A_162, %select_n3A_150 : vector<16xf32>
          %select_n3A_164 = arith.select %gt3A_163, %get3A_162, %select_n3A_150 : vector<16xi1>, vector<16xf32>
          %mul3A_165 = arith.constant 16 : i32
          %mul3A_166 = arith.muli %scan3A_157, %mul3A_165 : i32
          %add3A_167 = vector.broadcast %mul3A_166 : i32 to vector<16xi32>
          %add3A_168 = arith.addi %add3A_167, %iota3A : vector<16xi32>
          %select_n3A_169 = arith.select %gt3A_163, %add3A_168, %select_n3A_155 : vector<16xi1>, vector<16xi32>
          %scan3A_170 = arith.constant 2 : i32
          %scan3A_171 = arith.addi %scan3A_142, %scan3A_170 : i32
          %mul3A_172 = arith.constant 16 : i32
          %mul3A_173 = arith.muli %scan3A_171, %mul3A_172 : i32
          %get3A_174 = arith.index_cast %mul3A_173 : i32 to index
          %get3A_175 = tpu.vector_load %arg4[%get3A_174] {strides = array<i32>} : memref<2048xf32, #tpu.memory_space<vmem>>, vector<16xf32>,
          %get3A_176 = vector.shape_cast %get3A_175 : vector<16xf32> to vector<16xf32>
          %gt3A_177 = arith.cmpf ogt, %get3A_176, %select_n3A_164 : vector<16xf32>
          %select_n3A_178 = arith.select %gt3A_177, %get3A_176, %select_n3A_164 : vector<16xi1>, vector<16xf32>
          %mul3A_179 = arith.constant 16 : i32
          %mul3A_180 = arith.muli %scan3A_171, %mul3A_179 : i32
          %add3A_181 = vector.broadcast %mul3A_180 : i32 to vector<16xi32>
          %add3A_182 = arith.addi %add3A_181, %iota3A : vector<16xi32>
          %select_n3A_183 = arith.select %gt3A_177, %add3A_182, %select_n3A_169 : vector<16xi1>, vector<16xi32>
          %scan3A_184 = arith.constant 3 : i32
          %scan3A_185 = arith.addi %scan3A_142, %scan3A_184 : i32
          %mul3A_186 = arith.constant 16 : i32
          %mul3A_187 = arith.muli %scan3A_185, %mul3A_186 : i32
          %get3A_188 = arith.index_cast %mul3A_187 : i32 to index
          %get3A_189 = tpu.vector_load %arg4[%get3A_188] {strides = array<i32>} : memref<2048xf32, #tpu.memory_space<vmem>>, vector<16xf32>,
          %get3A_190 = vector.shape_cast %get3A_189 : vector<16xf32> to vector<16xf32>
          %gt3A_191 = arith.cmpf ogt, %get3A_190, %select_n3A_178 : vector<16xf32>
          %select_n3A_192 = arith.select %gt3A_191, %get3A_190, %select_n3A_178 : vector<16xi1>, vector<16xf32>
          %mul3A_193 = arith.constant 16 : i32
          %mul3A_194 = arith.muli %scan3A_185, %mul3A_193 : i32
          %add3A_195 = vector.broadcast %mul3A_194 : i32 to vector<16xi32>
          %add3A_196 = arith.addi %add3A_195, %iota3A : vector<16xi32>
          %select_n3A_197 = arith.select %gt3A_191, %add3A_196, %select_n3A_183 : vector<16xi1>, vector<16xi32>
          scf.yield %select_n3A_192, %select_n3A_197 : vector<16xf32>, vector<16xi32>
        }
        %scan3A_48 = arith.constant 128 : i32
        %swap3A_49 = arith.constant 0 : index
        %swap3A_50 = tpu.vector_load %arg6[%swap3A_49] {strides = array<i32>} : memref<32xf32, #tpu.memory_space<vmem>>, vector<16xf32>,
        %swap3A_51 = vector.shape_cast %swap3A_50 : vector<16xf32> to vector<16xf32>
        %swap3A_52 = vector.shape_cast %scan3A_47#0 : vector<16xf32> to vector<16xf32>
        tpu.vector_store %arg6[%swap3A_49], %swap3A_52 {strides = array<i32>} : memref<32xf32, #tpu.memory_space<vmem>>, vector<16xf32>,
        %get3A = arith.constant 8 : index
        %get3A_53 = tpu.vector_load %arg6[%get3A] {strides = array<i32>} : memref<32xf32, #tpu.memory_space<vmem>>, vector<16xf32>,
        %get3A_54 = vector.shape_cast %get3A_53 : vector<16xf32> to vector<16xf32>
        %max3A = arith.maximumf %scan3A_47#0, %get3A_54 : vector<16xf32>
        %swap3A_55 = arith.constant 0 : index
        %swap3A_56 = tpu.vector_load %arg6[%swap3A_55] {strides = array<i32>} : memref<32xf32, #tpu.memory_space<vmem>>, vector<16xf32>,
        %swap3A_57 = vector.shape_cast %swap3A_56 : vector<16xf32> to vector<16xf32>
        %swap3A_58 = vector.shape_cast %max3A : vector<16xf32> to vector<16xf32>
        tpu.vector_store %arg6[%swap3A_55], %swap3A_58 {strides = array<i32>} : memref<32xf32, #tpu.memory_space<vmem>>, vector<16xf32>,
        %get3A_59 = arith.constant 4 : index
        %get3A_60 = tpu.vector_load %arg6[%get3A_59] {strides = array<i32>} : memref<32xf32, #tpu.memory_space<vmem>>, vector<16xf32>,
        %get3A_61 = vector.shape_cast %get3A_60 : vector<16xf32> to vector<16xf32>
        %max3A_62 = arith.maximumf %max3A, %get3A_61 : vector<16xf32>
        %swap3A_63 = arith.constant 0 : index
        %swap3A_64 = tpu.vector_load %arg6[%swap3A_63] {strides = array<i32>} : memref<32xf32, #tpu.memory_space<vmem>>, vector<16xf32>,
        %swap3A_65 = vector.shape_cast %swap3A_64 : vector<16xf32> to vector<16xf32>
        %swap3A_66 = vector.shape_cast %max3A_62 : vector<16xf32> to vector<16xf32>
        tpu.vector_store %arg6[%swap3A_63], %swap3A_66 {strides = array<i32>} : memref<32xf32, #tpu.memory_space<vmem>>, vector<16xf32>,
        %get3A_67 = arith.constant 2 : index
        %get3A_68 = tpu.vector_load %arg6[%get3A_67] {strides = array<i32>} : memref<32xf32, #tpu.memory_space<vmem>>, vector<16xf32>,
        %get3A_69 = vector.shape_cast %get3A_68 : vector<16xf32> to vector<16xf32>
        %max3A_70 = arith.maximumf %max3A_62, %get3A_69 : vector<16xf32>
        %swap3A_71 = arith.constant 0 : index
        %swap3A_72 = tpu.vector_load %arg6[%swap3A_71] {strides = array<i32>} : memref<32xf32, #tpu.memory_space<vmem>>, vector<16xf32>,
        %swap3A_73 = vector.shape_cast %swap3A_72 : vector<16xf32> to vector<16xf32>
        %swap3A_74 = vector.shape_cast %max3A_70 : vector<16xf32> to vector<16xf32>
        tpu.vector_store %arg6[%swap3A_71], %swap3A_74 {strides = array<i32>} : memref<32xf32, #tpu.memory_space<vmem>>, vector<16xf32>,
        %get3A_75 = arith.constant 1 : index
        %get3A_76 = tpu.vector_load %arg6[%get3A_75] {strides = array<i32>} : memref<32xf32, #tpu.memory_space<vmem>>, vector<16xf32>,
        %get3A_77 = vector.shape_cast %get3A_76 : vector<16xf32> to vector<16xf32>
        %max3A_78 = arith.maximumf %max3A_70, %get3A_77 : vector<16xf32>
        %slice3A = vector.extract_strided_slice %max3A_78 {offsets = [0], sizes = [1], strides = [1]} : vector<16xf32> to vector<1xf32>
        %squeeze3A = vector.extract %slice3A[0] : f32 from vector<1xf32>
        %eq3A = vector.broadcast %squeeze3A : f32 to vector<16xf32>
        %eq3A_79 = arith.cmpf oeq, %scan3A_47#0, %eq3A : vector<16xf32>
        %broadcast_in_dim3A_80 = arith.constant 1000000 : i32
        %broadcast_in_dim3A_81 = vector.broadcast %broadcast_in_dim3A_80 : i32 to vector<16xi32>
        %select_n3A = arith.select %eq3A_79, %scan3A_47#1, %broadcast_in_dim3A_81 : vector<16xi1>, vector<16xi32>
        %swap3A_82 = arith.constant 0 : index
        %swap3A_83 = tpu.vector_load %arg7[%swap3A_82] {strides = array<i32>} : memref<32xi32, #tpu.memory_space<vmem>>, vector<16xi32>,
        %swap3A_84 = vector.shape_cast %swap3A_83 : vector<16xi32> to vector<16xi32>
        %swap3A_85 = vector.shape_cast %select_n3A : vector<16xi32> to vector<16xi32>
        tpu.vector_store %arg7[%swap3A_82], %swap3A_85 {strides = array<i32>} : memref<32xi32, #tpu.memory_space<vmem>>, vector<16xi32>,
        %get3A_86 = arith.constant 8 : index
        %get3A_87 = tpu.vector_load %arg7[%get3A_86] {strides = array<i32>} : memref<32xi32, #tpu.memory_space<vmem>>, vector<16xi32>,
        %get3A_88 = vector.shape_cast %get3A_87 : vector<16xi32> to vector<16xi32>
        %min3A = arith.minsi %select_n3A, %get3A_88 : vector<16xi32>
        %swap3A_89 = arith.constant 0 : index
        %swap3A_90 = tpu.vector_load %arg7[%swap3A_89] {strides = array<i32>} : memref<32xi32, #tpu.memory_space<vmem>>, vector<16xi32>,
        %swap3A_91 = vector.shape_cast %swap3A_90 : vector<16xi32> to vector<16xi32>
        %swap3A_92 = vector.shape_cast %min3A : vector<16xi32> to vector<16xi32>
        tpu.vector_store %arg7[%swap3A_89], %swap3A_92 {strides = array<i32>} : memref<32xi32, #tpu.memory_space<vmem>>, vector<16xi32>,
        %get3A_93 = arith.constant 4 : index
        %get3A_94 = tpu.vector_load %arg7[%get3A_93] {strides = array<i32>} : memref<32xi32, #tpu.memory_space<vmem>>, vector<16xi32>,
        %get3A_95 = vector.shape_cast %get3A_94 : vector<16xi32> to vector<16xi32>
        %min3A_96 = arith.minsi %min3A, %get3A_95 : vector<16xi32>
        %swap3A_97 = arith.constant 0 : index
        %swap3A_98 = tpu.vector_load %arg7[%swap3A_97] {strides = array<i32>} : memref<32xi32, #tpu.memory_space<vmem>>, vector<16xi32>,
        %swap3A_99 = vector.shape_cast %swap3A_98 : vector<16xi32> to vector<16xi32>
        %swap3A_100 = vector.shape_cast %min3A_96 : vector<16xi32> to vector<16xi32>
        tpu.vector_store %arg7[%swap3A_97], %swap3A_100 {strides = array<i32>} : memref<32xi32, #tpu.memory_space<vmem>>, vector<16xi32>,
        %get3A_101 = arith.constant 2 : index
        %get3A_102 = tpu.vector_load %arg7[%get3A_101] {strides = array<i32>} : memref<32xi32, #tpu.memory_space<vmem>>, vector<16xi32>,
        %get3A_103 = vector.shape_cast %get3A_102 : vector<16xi32> to vector<16xi32>
        %min3A_104 = arith.minsi %min3A_96, %get3A_103 : vector<16xi32>
        %swap3A_105 = arith.constant 0 : index
        %swap3A_106 = tpu.vector_load %arg7[%swap3A_105] {strides = array<i32>} : memref<32xi32, #tpu.memory_space<vmem>>, vector<16xi32>,
        %swap3A_107 = vector.shape_cast %swap3A_106 : vector<16xi32> to vector<16xi32>
        %swap3A_108 = vector.shape_cast %min3A_104 : vector<16xi32> to vector<16xi32>
        tpu.vector_store %arg7[%swap3A_105], %swap3A_108 {strides = array<i32>} : memref<32xi32, #tpu.memory_space<vmem>>, vector<16xi32>,
        %get3A_109 = arith.constant 1 : index
        %get3A_110 = tpu.vector_load %arg7[%get3A_109] {strides = array<i32>} : memref<32xi32, #tpu.memory_space<vmem>>, vector<16xi32>,
        %get3A_111 = vector.shape_cast %get3A_110 : vector<16xi32> to vector<16xi32>
        %min3A_112 = arith.minsi %min3A_104, %get3A_111 : vector<16xi32>
        %slice3A_113 = vector.extract_strided_slice %min3A_112 {offsets = [0], sizes = [1], strides = [1]} : vector<16xi32> to vector<1xi32>
        %squeeze3A_114 = vector.extract %slice3A_113[0] : i32 from vector<1xi32>
        %and3A = arith.constant -16 : i32
        %and3A_115 = arith.andi %squeeze3A_114, %and3A : i32
        %sub3A = arith.subi %squeeze3A_114, %and3A_115 : i32
        %eq3A_116 = vector.broadcast %sub3A : i32 to vector<16xi32>
        %eq3A_117 = arith.cmpi eq, %iota3A, %eq3A_116 : vector<16xi32>
        %get3A_118 = arith.index_cast %and3A_115 : i32 to index
        %get3A_119 = tpu.vector_load %arg4[%get3A_118] {strides = array<i32>} : memref<2048xf32, #tpu.memory_space<vmem>>, vector<16xf32>,
        %get3A_120 = vector.shape_cast %get3A_119 : vector<16xf32> to vector<16xf32>
        %jit3A = arith.constant -1.000000e+00 : f32
        %broadcast_in_dim3A_121 = vector.broadcast %jit3A : f32 to vector<16xf32>
        %select_n3A_122 = arith.select %eq3A_117, %broadcast_in_dim3A_121, %get3A_120 : vector<16xi1>, vector<16xf32>
        %swap3A_123 = arith.index_cast %and3A_115 : i32 to index
        %swap3A_124 = tpu.vector_load %arg4[%swap3A_123] {strides = array<i32>} : memref<2048xf32, #tpu.memory_space<vmem>>, vector<16xf32>,
        %swap3A_125 = vector.shape_cast %swap3A_124 : vector<16xf32> to vector<16xf32>
        %swap3A_126 = vector.shape_cast %select_n3A_122 : vector<16xf32> to vector<16xf32>
        tpu.vector_store %arg4[%swap3A_123], %swap3A_126 {strides = array<i32>} : memref<2048xf32, #tpu.memory_space<vmem>>, vector<16xf32>,
        %and3A_127 = arith.constant -16 : i32
        %and3A_128 = arith.andi %scan3A_37, %and3A_127 : i32
        %sub3A_129 = arith.subi %scan3A_37, %and3A_128 : i32
        %eq3A_130 = vector.broadcast %sub3A_129 : i32 to vector<16xi32>
        %eq3A_131 = arith.cmpi eq, %iota3A, %eq3A_130 : vector<16xi32>
        %get3A_132 = arith.index_cast %and3A_128 : i32 to index
        %get3A_133 = tpu.vector_load %arg5[%get3A_132] {strides = array<i32>} : memref<48xi32, #tpu.memory_space<vmem>>, vector<16xi32>,
        %get3A_134 = vector.shape_cast %get3A_133 : vector<16xi32> to vector<16xi32>
        %broadcast_in_dim3A_135 = vector.broadcast %squeeze3A_114 : i32 to vector<16xi32>
        %select_n3A_136 = arith.select %eq3A_131, %broadcast_in_dim3A_135, %get3A_134 : vector<16xi1>, vector<16xi32>
        %swap3A_137 = arith.index_cast %and3A_128 : i32 to index
        %swap3A_138 = tpu.vector_load %arg5[%swap3A_137] {strides = array<i32>} : memref<48xi32, #tpu.memory_space<vmem>>, vector<16xi32>,
        %swap3A_139 = vector.shape_cast %swap3A_138 : vector<16xi32> to vector<16xi32>
        %swap3A_140 = vector.shape_cast %select_n3A_136 : vector<16xi32> to vector<16xi32>
        tpu.vector_store %arg5[%swap3A_137], %swap3A_140 {strides = array<i32>} : memref<48xi32, #tpu.memory_space<vmem>>, vector<16xi32>,
        %scan3A_141 = arith.constant 0 : i32
        scf.yield %scan3A_141 : i32
      }
      %scan3A_36 = arith.constant 40 : i32
      "tpu.region"() ({
        %run_scoped3A = tpu.sem_alloc : memref<!tpu.dma_semaphore, #tpu.memory_space<semaphore_mem>>
        %dma_start3A = arith.constant 0 : i32
        %dma_start3A_37 = tpu.memref_slice %arg3[%add3A, %dma_start3A] : memref<12x48xi32, #tpu.memory_space<hbm>> -> memref<1x48xi32, #tpu.memory_space<hbm>>
        %dma_start3A_38 = tpu.memref_squeeze %dma_start3A_37 : memref<1x48xi32, #tpu.memory_space<hbm>> -> memref<48xi32, #tpu.memory_space<hbm>>
        %dma_start3A_39 = arith.constant 0 : i32
        %dma_start3A_40 = tpu.memref_slice %arg3[%add3A, %dma_start3A_39] : memref<12x48xi32, #tpu.memory_space<hbm>> -> memref<1x48xi32, #tpu.memory_space<hbm>>
        %dma_start3A_41 = tpu.memref_squeeze %dma_start3A_40 : memref<1x48xi32, #tpu.memory_space<hbm>> -> memref<48xi32, #tpu.memory_space<hbm>>
        tpu.enqueue_dma source(%arg5 : memref<48xi32, #tpu.memory_space<vmem>>) target(%dma_start3A_41 : memref<48xi32, #tpu.memory_space<hbm>>) target_semaphore(%run_scoped3A : memref<!tpu.dma_semaphore, #tpu.memory_space<semaphore_mem>>)
        %dma_wait3A = arith.constant 0 : i32
        %dma_wait3A_42 = tpu.memref_slice %arg3[%add3A, %dma_wait3A] : memref<12x48xi32, #tpu.memory_space<hbm>> -> memref<1x48xi32, #tpu.memory_space<hbm>>
        %dma_wait3A_43 = tpu.memref_squeeze %dma_wait3A_42 : memref<1x48xi32, #tpu.memory_space<hbm>> -> memref<48xi32, #tpu.memory_space<hbm>>
        %dma_wait3A_44 = arith.constant 0 : i32
        %dma_wait3A_45 = tpu.memref_slice %arg3[%add3A, %dma_wait3A_44] : memref<12x48xi32, #tpu.memory_space<hbm>> -> memref<1x48xi32, #tpu.memory_space<hbm>>
        %dma_wait3A_46 = tpu.memref_squeeze %dma_wait3A_45 : memref<1x48xi32, #tpu.memory_space<hbm>> -> memref<48xi32, #tpu.memory_space<hbm>>
        tpu.wait_dma2 semaphore(%run_scoped3A : memref<!tpu.dma_semaphore, #tpu.memory_space<semaphore_mem>>) src(%arg5 : memref<48xi32, #tpu.memory_space<vmem>>) dst(%dma_wait3A_46 : memref<48xi32, #tpu.memory_space<hbm>>)
        tpu.yield
      }) : () -> ()
    } else {
    }
    return
  }
}

module attributes {stable_mosaic.version = 14 : i64} {
  func.func @_score_kernel(%arg0: i32, %arg1: memref<1x2048x64xf32, #tpu.memory_space<vmem>>, %arg2: memref<1x2048x64xf32, #tpu.memory_space<vmem>>, %arg3: memref<1x2048x2048xi8, #tpu.memory_space<vmem>>, %arg4: memref<1x1x2048xf32, #tpu.memory_space<vmem>>) attributes {dimension_semantics = [#tpu.dimension_semantics<arbitrary>], iteration_bounds = array<i64: 12>, scalar_prefetch = 0 : i64, scratch_operands = 0 : i64, tpu.core_type = #tpu.core_type<tc>, window_params = [{transform_indices = @transform_0, window_bounds = array<i64: 1, 2048, 64>}, {transform_indices = @transform_1, window_bounds = array<i64: 1, 2048, 64>}, {transform_indices = @transform_2, window_bounds = array<i64: 1, 2048, 2048>}, {transform_indices = @transform_3, window_bounds = array<i64: 1, 1, 2048>}]} {
    %get3A = arith.constant 0 : index
    %get3A_0 = arith.constant 0 : index
    %get3A_1 = arith.constant 0 : index
    %get3A_2 = vector.load %arg1[%get3A, %get3A_0, %get3A_1] : memref<1x2048x64xf32, #tpu.memory_space<vmem>>, vector<1x2048x64xf32>
    %get3A_3 = vector.shape_cast %get3A_2 : vector<1x2048x64xf32> to vector<2048x64xf32>
    %get3A_4 = arith.constant 0 : index
    %get3A_5 = arith.constant 0 : index
    %get3A_6 = arith.constant 0 : index
    %get3A_7 = vector.load %arg2[%get3A_4, %get3A_5, %get3A_6] : memref<1x2048x64xf32, #tpu.memory_space<vmem>>, vector<1x2048x64xf32>
    %get3A_8 = vector.shape_cast %get3A_7 : vector<1x2048x64xf32> to vector<2048x64xf32>
    %reduce_sum3A = arith.constant dense<0.000000e+00> : vector<2048xf32>
    %reduce_sum3A_9 = vector.multi_reduction <add>, %get3A_3, %reduce_sum3A [1] : vector<2048x64xf32> to vector<2048xf32>
    %broadcast_in_dim3A = vector.shape_cast %reduce_sum3A_9 : vector<2048xf32> to vector<2048x1xf32>
    %div3A = arith.constant 6.400000e+01 : f32
    %div3A_10 = vector.broadcast %div3A : f32 to vector<2048x1xf32>
    %div3A_11 = arith.divf %broadcast_in_dim3A, %div3A_10 : vector<2048x1xf32>
    %sub3A = vector.broadcast %div3A_11 : vector<2048x1xf32> to vector<2048x64xf32>
    %sub3A_12 = arith.subf %get3A_3, %sub3A : vector<2048x64xf32>
    %mul3A = arith.mulf %sub3A_12, %sub3A_12 : vector<2048x64xf32>
    %reduce_sum3A_13 = arith.constant dense<0.000000e+00> : vector<2048xf32>
    %reduce_sum3A_14 = vector.multi_reduction <add>, %mul3A, %reduce_sum3A_13 [1] : vector<2048x64xf32> to vector<2048xf32>
    %broadcast_in_dim3A_15 = vector.shape_cast %reduce_sum3A_14 : vector<2048xf32> to vector<2048x1xf32>
    %sqrt3A = math.sqrt %broadcast_in_dim3A_15 : vector<2048x1xf32>
    %max3A = arith.constant 9.99999996E-13 : f32
    %max3A_16 = vector.broadcast %max3A : f32 to vector<2048x1xf32>
    %max3A_17 = arith.maximumf %sqrt3A, %max3A_16 : vector<2048x1xf32>
    %div3A_18 = vector.broadcast %max3A_17 : vector<2048x1xf32> to vector<2048x64xf32>
    %div3A_19 = arith.divf %sub3A_12, %div3A_18 : vector<2048x64xf32>
    %reduce_sum3A_20 = arith.constant dense<0.000000e+00> : vector<2048xf32>
    %reduce_sum3A_21 = vector.multi_reduction <add>, %get3A_8, %reduce_sum3A_20 [1] : vector<2048x64xf32> to vector<2048xf32>
    %broadcast_in_dim3A_22 = vector.shape_cast %reduce_sum3A_21 : vector<2048xf32> to vector<2048x1xf32>
    %div3A_23 = arith.constant 6.400000e+01 : f32
    %div3A_24 = vector.broadcast %div3A_23 : f32 to vector<2048x1xf32>
    %div3A_25 = arith.divf %broadcast_in_dim3A_22, %div3A_24 : vector<2048x1xf32>
    %sub3A_26 = vector.broadcast %div3A_25 : vector<2048x1xf32> to vector<2048x64xf32>
    %sub3A_27 = arith.subf %get3A_8, %sub3A_26 : vector<2048x64xf32>
    %mul3A_28 = arith.mulf %sub3A_27, %sub3A_27 : vector<2048x64xf32>
    %reduce_sum3A_29 = arith.constant dense<0.000000e+00> : vector<2048xf32>
    %reduce_sum3A_30 = vector.multi_reduction <add>, %mul3A_28, %reduce_sum3A_29 [1] : vector<2048x64xf32> to vector<2048xf32>
    %broadcast_in_dim3A_31 = vector.shape_cast %reduce_sum3A_30 : vector<2048xf32> to vector<2048x1xf32>
    %sqrt3A_32 = math.sqrt %broadcast_in_dim3A_31 : vector<2048x1xf32>
    %max3A_33 = arith.constant 9.99999996E-13 : f32
    %max3A_34 = vector.broadcast %max3A_33 : f32 to vector<2048x1xf32>
    %max3A_35 = arith.maximumf %sqrt3A_32, %max3A_34 : vector<2048x1xf32>
    %div3A_36 = vector.broadcast %max3A_35 : vector<2048x1xf32> to vector<2048x64xf32>
    %div3A_37 = arith.divf %sub3A_27, %div3A_36 : vector<2048x64xf32>
    %broadcast_in_dim3A_38 = arith.constant 0.000000e+00 : f32
    %broadcast_in_dim3A_39 = vector.broadcast %broadcast_in_dim3A_38 : f32 to vector<1x2048xf32>
    %slice3A = vector.extract_strided_slice %div3A_37 {offsets = [0, 0], sizes = [512, 64], strides = [1, 1]} : vector<2048x64xf32> to vector<512x64xf32>
    %dot_general3A = arith.constant dense<0.000000e+00> : vector<512x2048xf32>
    %dot_general3A_40 = tpu.matmul %slice3A, %div3A_19, %dot_general3A {dimension_numbers = #tpu.dot_dimension_numbers<[1], [1], [0], [0], [0, 0, 1, 0], [], []>, precision = #tpu.contract_precision<fp32>, transpose_lhs_hint = false} : vector<512x64xf32>, vector<2048x64xf32>, vector<512x2048xf32> -> vector<512x2048xf32>
    %slice3A_41 = vector.extract_strided_slice %div3A_37 {offsets = [512, 0], sizes = [512, 64], strides = [1, 1]} : vector<2048x64xf32> to vector<512x64xf32>
    %dot_general3A_42 = arith.constant dense<0.000000e+00> : vector<512x2048xf32>
    %dot_general3A_43 = tpu.matmul %slice3A_41, %div3A_19, %dot_general3A_42 {dimension_numbers = #tpu.dot_dimension_numbers<[1], [1], [0], [0], [0, 0, 1, 0], [], []>, precision = #tpu.contract_precision<fp32>, transpose_lhs_hint = false} : vector<512x64xf32>, vector<2048x64xf32>, vector<512x2048xf32> -> vector<512x2048xf32>
    %get3A_44 = arith.constant 0 : index
    %get3A_45 = arith.constant 0 : index
    %get3A_46 = arith.constant 0 : index
    %get3A_47 = vector.load %arg3[%get3A_44, %get3A_45, %get3A_46] : memref<1x2048x2048xi8, #tpu.memory_space<vmem>>, vector<1x512x2048xi8>
    %get3A_48 = vector.shape_cast %get3A_47 : vector<1x512x2048xi8> to vector<512x2048xi8>
    %convert_element_type3A = arith.sitofp %get3A_48 : vector<512x2048xi8> to vector<512x2048xf32>
    %abs3A = math.absf %dot_general3A_40 : vector<512x2048xf32>
    %mul3A_49 = arith.mulf %abs3A, %convert_element_type3A : vector<512x2048xf32>
    %reduce_sum3A_50 = arith.constant dense<0.000000e+00> : vector<2048xf32>
    %reduce_sum3A_51 = vector.multi_reduction <add>, %mul3A_49, %reduce_sum3A_50 [0] : vector<512x2048xf32> to vector<2048xf32>
    %broadcast_in_dim3A_52 = vector.shape_cast %reduce_sum3A_51 : vector<2048xf32> to vector<1x2048xf32>
    %add3A = arith.addf %broadcast_in_dim3A_39, %broadcast_in_dim3A_52 : vector<1x2048xf32>
    %slice3A_53 = vector.extract_strided_slice %div3A_37 {offsets = [1024, 0], sizes = [512, 64], strides = [1, 1]} : vector<2048x64xf32> to vector<512x64xf32>
    %dot_general3A_54 = arith.constant dense<0.000000e+00> : vector<512x2048xf32>
    %dot_general3A_55 = tpu.matmul %slice3A_53, %div3A_19, %dot_general3A_54 {dimension_numbers = #tpu.dot_dimension_numbers<[1], [1], [0], [0], [0, 0, 1, 0], [], []>, precision = #tpu.contract_precision<fp32>, transpose_lhs_hint = false} : vector<512x64xf32>, vector<2048x64xf32>, vector<512x2048xf32> -> vector<512x2048xf32>
    %get3A_56 = arith.constant 0 : index
    %get3A_57 = arith.constant 512 : index
    %get3A_58 = arith.constant 0 : index
    %get3A_59 = vector.load %arg3[%get3A_56, %get3A_57, %get3A_58] : memref<1x2048x2048xi8, #tpu.memory_space<vmem>>, vector<1x512x2048xi8>
    %get3A_60 = vector.shape_cast %get3A_59 : vector<1x512x2048xi8> to vector<512x2048xi8>
    %convert_element_type3A_61 = arith.sitofp %get3A_60 : vector<512x2048xi8> to vector<512x2048xf32>
    %abs3A_62 = math.absf %dot_general3A_43 : vector<512x2048xf32>
    %mul3A_63 = arith.mulf %abs3A_62, %convert_element_type3A_61 : vector<512x2048xf32>
    %reduce_sum3A_64 = arith.constant dense<0.000000e+00> : vector<2048xf32>
    %reduce_sum3A_65 = vector.multi_reduction <add>, %mul3A_63, %reduce_sum3A_64 [0] : vector<512x2048xf32> to vector<2048xf32>
    %broadcast_in_dim3A_66 = vector.shape_cast %reduce_sum3A_65 : vector<2048xf32> to vector<1x2048xf32>
    %add3A_67 = arith.addf %add3A, %broadcast_in_dim3A_66 : vector<1x2048xf32>
    %slice3A_68 = vector.extract_strided_slice %div3A_37 {offsets = [1536, 0], sizes = [512, 64], strides = [1, 1]} : vector<2048x64xf32> to vector<512x64xf32>
    %dot_general3A_69 = arith.constant dense<0.000000e+00> : vector<512x2048xf32>
    %dot_general3A_70 = tpu.matmul %slice3A_68, %div3A_19, %dot_general3A_69 {dimension_numbers = #tpu.dot_dimension_numbers<[1], [1], [0], [0], [0, 0, 1, 0], [], []>, precision = #tpu.contract_precision<fp32>, transpose_lhs_hint = false} : vector<512x64xf32>, vector<2048x64xf32>, vector<512x2048xf32> -> vector<512x2048xf32>
    %get3A_71 = arith.constant 0 : index
    %get3A_72 = arith.constant 1024 : index
    %get3A_73 = arith.constant 0 : index
    %get3A_74 = vector.load %arg3[%get3A_71, %get3A_72, %get3A_73] : memref<1x2048x2048xi8, #tpu.memory_space<vmem>>, vector<1x512x2048xi8>
    %get3A_75 = vector.shape_cast %get3A_74 : vector<1x512x2048xi8> to vector<512x2048xi8>
    %convert_element_type3A_76 = arith.sitofp %get3A_75 : vector<512x2048xi8> to vector<512x2048xf32>
    %abs3A_77 = math.absf %dot_general3A_55 : vector<512x2048xf32>
    %mul3A_78 = arith.mulf %abs3A_77, %convert_element_type3A_76 : vector<512x2048xf32>
    %reduce_sum3A_79 = arith.constant dense<0.000000e+00> : vector<2048xf32>
    %reduce_sum3A_80 = vector.multi_reduction <add>, %mul3A_78, %reduce_sum3A_79 [0] : vector<512x2048xf32> to vector<2048xf32>
    %broadcast_in_dim3A_81 = vector.shape_cast %reduce_sum3A_80 : vector<2048xf32> to vector<1x2048xf32>
    %add3A_82 = arith.addf %add3A_67, %broadcast_in_dim3A_81 : vector<1x2048xf32>
    %get3A_83 = arith.constant 0 : index
    %get3A_84 = arith.constant 1536 : index
    %get3A_85 = arith.constant 0 : index
    %get3A_86 = vector.load %arg3[%get3A_83, %get3A_84, %get3A_85] : memref<1x2048x2048xi8, #tpu.memory_space<vmem>>, vector<1x512x2048xi8>
    %get3A_87 = vector.shape_cast %get3A_86 : vector<1x512x2048xi8> to vector<512x2048xi8>
    %convert_element_type3A_88 = arith.sitofp %get3A_87 : vector<512x2048xi8> to vector<512x2048xf32>
    %abs3A_89 = math.absf %dot_general3A_70 : vector<512x2048xf32>
    %mul3A_90 = arith.mulf %abs3A_89, %convert_element_type3A_88 : vector<512x2048xf32>
    %reduce_sum3A_91 = arith.constant dense<0.000000e+00> : vector<2048xf32>
    %reduce_sum3A_92 = vector.multi_reduction <add>, %mul3A_90, %reduce_sum3A_91 [0] : vector<512x2048xf32> to vector<2048xf32>
    %broadcast_in_dim3A_93 = vector.shape_cast %reduce_sum3A_92 : vector<2048xf32> to vector<1x2048xf32>
    %add3A_94 = arith.addf %add3A_82, %broadcast_in_dim3A_93 : vector<1x2048xf32>
    %swap3A = arith.constant 0 : index
    %swap3A_95 = arith.constant 0 : index
    %swap3A_96 = arith.constant 0 : index
    %swap3A_97 = vector.load %arg4[%swap3A, %swap3A_95, %swap3A_96] : memref<1x1x2048xf32, #tpu.memory_space<vmem>>, vector<1x1x2048xf32>
    %swap3A_98 = vector.shape_cast %swap3A_97 : vector<1x1x2048xf32> to vector<1x2048xf32>
    %swap3A_99 = vector.shape_cast %add3A_94 : vector<1x2048xf32> to vector<1x1x2048xf32>
    tpu.vector_store %arg4[%swap3A, %swap3A_95, %swap3A_96], %swap3A_99 {strides = array<i32>} : memref<1x1x2048xf32, #tpu.memory_space<vmem>>, vector<1x1x2048xf32>,
    return
  }
  func.func @transform_0(%arg0: i32) -> (i32, i32, i32) {
    %c0_i32 = arith.constant 0 : i32
    %c0_i32_0 = arith.constant 0 : i32
    %c0_i32_1 = arith.constant 0 : i32
    return %arg0, %c0_i32, %c0_i32_0 : i32, i32, i32
  }
  func.func @transform_1(%arg0: i32) -> (i32, i32, i32) {
    %c0_i32 = arith.constant 0 : i32
    %c0_i32_0 = arith.constant 0 : i32
    %c0_i32_1 = arith.constant 0 : i32
    return %arg0, %c0_i32, %c0_i32_0 : i32, i32, i32
  }
  func.func @transform_2(%arg0: i32) -> (i32, i32, i32) {
    %c0_i32 = arith.constant 0 : i32
    %c0_i32_0 = arith.constant 0 : i32
    %c0_i32_1 = arith.constant 0 : i32
    return %arg0, %c0_i32, %c0_i32_0 : i32, i32, i32
  }
  func.func @transform_3(%arg0: i32) -> (i32, i32, i32) {
    %c0_i32 = arith.constant 0 : i32
    %c0_i32_0 = arith.constant 0 : i32
    %c0_i32_1 = arith.constant 0 : i32
    return %arg0, %c0_i32, %c0_i32_0 : i32, i32, i32
  }
}

module attributes {stable_mosaic.version = 14 : i64} {
  func.func @_attn_kernel(%arg0: i32, %arg1: memref<1x1x48xi32, #tpu.memory_space<vmem>>, %arg2: memref<1x2048x64xf32, #tpu.memory_space<vmem>>, %arg3: memref<1x2048x64xf32, #tpu.memory_space<vmem>>, %arg4: memref<1x2048x64xf32, #tpu.memory_space<vmem>>, %arg5: memref<1x48x64xf32, #tpu.memory_space<vmem>>) attributes {dimension_semantics = [#tpu.dimension_semantics<arbitrary>], iteration_bounds = array<i64: 12>, scalar_prefetch = 0 : i64, scratch_operands = 0 : i64, tpu.core_type = #tpu.core_type<tc>, window_params = [{transform_indices = @transform_0, window_bounds = array<i64: 1, 1, 48>}, {transform_indices = @transform_1, window_bounds = array<i64: 1, 2048, 64>}, {transform_indices = @transform_2, window_bounds = array<i64: 1, 2048, 64>}, {transform_indices = @transform_3, window_bounds = array<i64: 1, 2048, 64>}, {transform_indices = @transform_4, window_bounds = array<i64: 1, 48, 64>}]} {
    %get3A = arith.constant 0 : index
    %get3A_0 = arith.constant 0 : index
    %get3A_1 = arith.constant 0 : index
    %get3A_2 = vector.load %arg2[%get3A, %get3A_0, %get3A_1] : memref<1x2048x64xf32, #tpu.memory_space<vmem>>, vector<1x2048x64xf32>
    %get3A_3 = vector.shape_cast %get3A_2 : vector<1x2048x64xf32> to vector<2048x64xf32>
    %get3A_4 = arith.constant 0 : index
    %get3A_5 = arith.constant 0 : index
    %get3A_6 = arith.constant 0 : index
    %get3A_7 = vector.load %arg3[%get3A_4, %get3A_5, %get3A_6] : memref<1x2048x64xf32, #tpu.memory_space<vmem>>, vector<1x2048x64xf32>
    %get3A_8 = vector.shape_cast %get3A_7 : vector<1x2048x64xf32> to vector<2048x64xf32>
    %get3A_9 = arith.constant 0 : index
    %get3A_10 = arith.constant 0 : index
    %get3A_11 = arith.constant 0 : index
    %get3A_12 = vector.load %arg4[%get3A_9, %get3A_10, %get3A_11] : memref<1x2048x64xf32, #tpu.memory_space<vmem>>, vector<1x2048x64xf32>
    %get3A_13 = vector.shape_cast %get3A_12 : vector<1x2048x64xf32> to vector<2048x64xf32>
    %get3A_14 = arith.constant 0 : index
    %get3A_15 = arith.constant 0 : index
    %get3A_16 = arith.constant 0 : index
    %get3A_17 = vector.load %arg1[%get3A_14, %get3A_15, %get3A_16] : memref<1x1x48xi32, #tpu.memory_space<vmem>>, vector<1x1x48xi32>
    %get3A_18 = vector.shape_cast %get3A_17 : vector<1x1x48xi32> to vector<1x48xi32>
    %convert_element_type3A = arith.sitofp %get3A_18 : vector<1x48xi32> to vector<1x48xf32>
    %iota3A = tpu.iota {dimensions = array<i32: 0>} : vector<48x48xi32>
    %iota3A_19 = tpu.iota {dimensions = array<i32: 1>} : vector<48x48xi32>
    %eq3A = arith.cmpi eq, %iota3A, %iota3A_19 : vector<48x48xi32>
    %convert_element_type3A_20 = arith.extui %eq3A : vector<48x48xi1> to vector<48x48xi32>
    %convert_element_type3A_21 = arith.sitofp %convert_element_type3A_20 : vector<48x48xi32> to vector<48x48xf32>
    %dot_general3A = arith.constant dense<0.000000e+00> : vector<48x1xf32>
    %dot_general3A_22 = tpu.matmul %convert_element_type3A_21, %convert_element_type3A, %dot_general3A {dimension_numbers = #tpu.dot_dimension_numbers<[1], [1], [0], [0], [0, 0, 1, 0], [], []>, precision = #tpu.contract_precision<fp32>, transpose_lhs_hint = false} : vector<48x48xf32>, vector<1x48xf32>, vector<48x1xf32> -> vector<48x1xf32>
    %iota3A_23 = tpu.iota {dimensions = array<i32: 1>} : vector<48x2048xi32>
    %convert_element_type3A_24 = arith.fptosi %dot_general3A_22 : vector<48x1xf32> to vector<48x1xi32>
    %eq3A_25 = vector.broadcast %convert_element_type3A_24 : vector<48x1xi32> to vector<48x2048xi32>
    %eq3A_26 = arith.cmpi eq, %iota3A_23, %eq3A_25 : vector<48x2048xi32>
    %convert_element_type3A_27 = arith.extui %eq3A_26 : vector<48x2048xi1> to vector<48x2048xi32>
    %convert_element_type3A_28 = arith.sitofp %convert_element_type3A_27 : vector<48x2048xi32> to vector<48x2048xf32>
    %dot_general3A_29 = arith.constant dense<0.000000e+00> : vector<48x64xf32>
    %dot_general3A_30 = tpu.matmul %convert_element_type3A_28, %get3A_3, %dot_general3A_29 {dimension_numbers = #tpu.dot_dimension_numbers<[1], [0], [0], [1], [0, 0, 1, 1], [], []>, precision = #tpu.contract_precision<fp32>, transpose_lhs_hint = false} : vector<48x2048xf32>, vector<2048x64xf32>, vector<48x64xf32> -> vector<48x64xf32>
    %mul3A = arith.mulf %dot_general3A_30, %dot_general3A_30 : vector<48x64xf32>
    %reduce_sum3A = arith.constant dense<0.000000e+00> : vector<48xf32>
    %reduce_sum3A_31 = vector.multi_reduction <add>, %mul3A, %reduce_sum3A [1] : vector<48x64xf32> to vector<48xf32>
    %broadcast_in_dim3A = vector.shape_cast %reduce_sum3A_31 : vector<48xf32> to vector<48x1xf32>
    %sqrt3A = math.sqrt %broadcast_in_dim3A : vector<48x1xf32>
    %max3A = arith.constant 9.99999996E-13 : f32
    %max3A_32 = vector.broadcast %max3A : f32 to vector<48x1xf32>
    %max3A_33 = arith.maximumf %sqrt3A, %max3A_32 : vector<48x1xf32>
    %div3A = vector.broadcast %max3A_33 : vector<48x1xf32> to vector<48x64xf32>
    %div3A_34 = arith.divf %dot_general3A_30, %div3A : vector<48x64xf32>
    %mul3A_35 = arith.mulf %get3A_8, %get3A_8 : vector<2048x64xf32>
    %reduce_sum3A_36 = arith.constant dense<0.000000e+00> : vector<2048xf32>
    %reduce_sum3A_37 = vector.multi_reduction <add>, %mul3A_35, %reduce_sum3A_36 [1] : vector<2048x64xf32> to vector<2048xf32>
    %broadcast_in_dim3A_38 = vector.shape_cast %reduce_sum3A_37 : vector<2048xf32> to vector<2048x1xf32>
    %sqrt3A_39 = math.sqrt %broadcast_in_dim3A_38 : vector<2048x1xf32>
    %max3A_40 = arith.constant 9.99999996E-13 : f32
    %max3A_41 = vector.broadcast %max3A_40 : f32 to vector<2048x1xf32>
    %max3A_42 = arith.maximumf %sqrt3A_39, %max3A_41 : vector<2048x1xf32>
    %div3A_43 = vector.broadcast %max3A_42 : vector<2048x1xf32> to vector<2048x64xf32>
    %div3A_44 = arith.divf %get3A_8, %div3A_43 : vector<2048x64xf32>
    %dot_general3A_45 = arith.constant dense<0.000000e+00> : vector<48x2048xf32>
    %dot_general3A_46 = tpu.matmul %div3A_34, %div3A_44, %dot_general3A_45 {dimension_numbers = #tpu.dot_dimension_numbers<[1], [1], [0], [0], [0, 0, 1, 0], [], []>, precision = #tpu.contract_precision<fp32>, transpose_lhs_hint = false} : vector<48x64xf32>, vector<2048x64xf32>, vector<48x2048xf32> -> vector<48x2048xf32>
    %mul3A_47 = arith.constant 31.7692451 : f32
    %mul3A_48 = vector.broadcast %mul3A_47 : f32 to vector<48x2048xf32>
    %mul3A_49 = arith.mulf %dot_general3A_46, %mul3A_48 : vector<48x2048xf32>
    %reduce_max3A = arith.constant dense<0xFF800000> : vector<48xf32>
    %reduce_max3A_50 = vector.multi_reduction <maximumf>, %mul3A_49, %reduce_max3A [1] : vector<48x2048xf32> to vector<48xf32>
    %broadcast_in_dim3A_51 = vector.shape_cast %reduce_max3A_50 : vector<48xf32> to vector<48x1xf32>
    %sub3A = vector.broadcast %broadcast_in_dim3A_51 : vector<48x1xf32> to vector<48x2048xf32>
    %sub3A_52 = arith.subf %mul3A_49, %sub3A : vector<48x2048xf32>
    %exp3A = math.exp %sub3A_52 : vector<48x2048xf32>
    %reduce_sum3A_53 = arith.constant dense<0.000000e+00> : vector<48xf32>
    %reduce_sum3A_54 = vector.multi_reduction <add>, %exp3A, %reduce_sum3A_53 [1] : vector<48x2048xf32> to vector<48xf32>
    %broadcast_in_dim3A_55 = vector.shape_cast %reduce_sum3A_54 : vector<48xf32> to vector<48x1xf32>
    %div3A_56 = vector.broadcast %broadcast_in_dim3A_55 : vector<48x1xf32> to vector<48x2048xf32>
    %div3A_57 = arith.divf %exp3A, %div3A_56 : vector<48x2048xf32>
    %dot_general3A_58 = arith.constant dense<0.000000e+00> : vector<48x64xf32>
    %dot_general3A_59 = tpu.matmul %div3A_57, %get3A_13, %dot_general3A_58 {dimension_numbers = #tpu.dot_dimension_numbers<[1], [0], [0], [1], [0, 0, 1, 1], [], []>, precision = #tpu.contract_precision<fp32>, transpose_lhs_hint = false} : vector<48x2048xf32>, vector<2048x64xf32>, vector<48x64xf32> -> vector<48x64xf32>
    %swap3A = arith.constant 0 : index
    %swap3A_60 = arith.constant 0 : index
    %swap3A_61 = arith.constant 0 : index
    %swap3A_62 = vector.load %arg5[%swap3A, %swap3A_60, %swap3A_61] : memref<1x48x64xf32, #tpu.memory_space<vmem>>, vector<1x48x64xf32>
    %swap3A_63 = vector.shape_cast %swap3A_62 : vector<1x48x64xf32> to vector<48x64xf32>
    %swap3A_64 = vector.shape_cast %dot_general3A_59 : vector<48x64xf32> to vector<1x48x64xf32>
    tpu.vector_store %arg5[%swap3A, %swap3A_60, %swap3A_61], %swap3A_64 {strides = array<i32>} : memref<1x48x64xf32, #tpu.memory_space<vmem>>, vector<1x48x64xf32>,
    return
  }
  func.func @transform_0(%arg0: i32) -> (i32, i32, i32) {
    %c0_i32 = arith.constant 0 : i32
    %c0_i32_0 = arith.constant 0 : i32
    %c0_i32_1 = arith.constant 0 : i32
    return %arg0, %c0_i32, %c0_i32_0 : i32, i32, i32
  }
  func.func @transform_1(%arg0: i32) -> (i32, i32, i32) {
    %c0_i32 = arith.constant 0 : i32
    %c0_i32_0 = arith.constant 0 : i32
    %c0_i32_1 = arith.constant 0 : i32
    return %arg0, %c0_i32, %c0_i32_0 : i32, i32, i32
  }
  func.func @transform_2(%arg0: i32) -> (i32, i32, i32) {
    %c0_i32 = arith.constant 0 : i32
    %c0_i32_0 = arith.constant 0 : i32
    %c0_i32_1 = arith.constant 0 : i32
    return %arg0, %c0_i32, %c0_i32_0 : i32, i32, i32
  }
  func.func @transform_3(%arg0: i32) -> (i32, i32, i32) {
    %c0_i32 = arith.constant 0 : i32
    %c0_i32_0 = arith.constant 0 : i32
    %c0_i32_1 = arith.constant 0 : i32
    return %arg0, %c0_i32, %c0_i32_0 : i32, i32, i32
  }
  func.func @transform_4(%arg0: i32) -> (i32, i32, i32) {
    %c0_i32 = arith.constant 0 : i32
    %c0_i32_0 = arith.constant 0 : i32
    %c0_i32_1 = arith.constant 0 : i32
    return %arg0, %c0_i32, %c0_i32_0 : i32, i32, i32
  }
}

</mosaic_0001>

<sc_bundles>
// kernel: kernel.6.cloned.1.call-start
scs
__scs_entry_jumppad:
0x0: {  	(pc) =	sbr.rel $0x88, $3  }
0x1: {  	(tag) =	ssettag $0x0;
	lr =	simm.s32 $0x1  }
0x2: {  	[smem:$0x3F9E] =	sst lr;
	_ =	strace $0xD0000000  }
0x3: {  	_ = 	snop  }
0x4: {  	_ = 	snop  }
0x5: {  	_ = 	snop  }
0x6: {  	_ = 	snop  }
0x7: {  	_ = 	snop  }
__scs_overlays_trampoline_lowered:
0x8: {  	[smem:$0x3FAD] =	sst s0  }
0x9: {  	[smem:$0x3FAE] =	sst s1  }
0xa: {  	[smem:$0x3FAF] =	sst s2  }
0xb: {  	[smem:$0x3FB0] =	sst s3  }
0xc: {  	[smem:$0x3FB1] =	sst s4  }
0xd: {  	[smem:$0x3FB2] =	sst s5  }
0xe: {  	[smem:$0x3FB3] =	sst s6  }
0xf: {  	[smem:$0x3FB4] =	sst s7  }
0x10: {  	[smem:$0x3FB5] =	sst s8  }
0x11: {  	[smem:$0x3FB6] =	sst s9;
	s0 =	simm.s32 @!p0 $0x0  }
0x12: {  	s1 =	sld [smem:$0x3F9C];
	s0 =	simm.s32 @p0 $0x1  }
0x13: {  	[smem:$0x3FB7] =	sst s0;
	s0 =	simm.s32 @!p1 $0x0  }
0x14: {  	s2 =	sld [smem:$0x3F9B];
	s0 =	simm.s32 @p1 $0x1  }
0x15: {  	[smem:$0x3FB8] =	sst s0;
	s0 =	simm.s32 @!p2 $0x0  }
0x16: {  	s3 =	sld [smem:$0x3FDB];
	s0 =	simm.s32 @p2 $0x1  }
0x17: {  	s4 =	simm.s32 $0x1BF5;
	[smem:$0x3FBA] =	sst s0  }
0x18: {  	s0 =	sld [smem:$0x3F9D];
	_ =	swait.ge [sflag:s4], $0x0  }
0x19: {  	s7 =	sld [smem:$0x3F9E]  }
0x1a: {  	s8 =	sadd.s32 $0xFFFFE003, lr  }
0x1b: {  	s9 =	sadd.s32 $0xFFFFFEF7, lr;
	s5 =	simm.s32 $0xFFFFFFFF;
	p2 =	slt.u32 s8, $0xFFFFF086  }
0x1c: {  	p1 =	slt.u32 s9, $0xF7A;
	s5 =	simm.s32 @!p2 $0x0  }
0x1d: {  	s5 =	simm.s32 @p1 $0x1;
	p0 =	seq.s32 s7, s2  }
0x1e: {  	s7 =	smul.u32 @!p0 $0xF7A, s2;
	p2 =	seq.s32 @!p0 s5, $0x0  }
0x1f: {  	s9 =	smul.u32 $0xF7A, s1;
	s8 =	simm.s32 @!p0 $0x1BF5;
	p2 =	por !p2, p0  }
0x20: {  	[sflag:s8] =	ssyncset.s32 @!p0 $0xFFFFF086;
	s6 =	sadd.s32 @!p0 s3, s7;
	s7 =	simm.s32 @!p0 $0x108  }
0x21: {  	s3 =	sadd.s32 s3, s9;
	s6 =	sadd.s32 @!p0 $0x88, s6;
	s7 =	simm.s32 @p2 $0x1082  }
0x22: {  	[simem:s7], [sflag:s8] =	dma.local @!p0 [hbm:s6], $0xF7A  }
0x23: {  	s9 =	sor.u32 $0xD0000000, s2;
	s6 =	simm.s32 $0x108;
	_ =	swait.ge @!p0 [sflag:s8], $0x0  }
0x24: {  	s3 =	sadd.s32 $0x88, s3;
	s6 =	simm.s32 @!p1 $0x1082;
	[sflag:s4] =	ssyncset.s32 $0xFFFFF086  }
0x25: {  	[simem:s6], [sflag:s4] =	dma.local [hbm:s3], $0xF7A  }
0x26: {  	[smem:$0x3F9E] =	sst s1;
	(tag) =	ssettag s2;
	_ =	strace s9  }
0x27: {  	s1 =	sld [smem:$0x3FAE]  }
0x28: {  	s2 =	sld [smem:$0x3FAF]  }
0x29: {  	s4 =	sld [smem:$0x3FB1]  }
0x2a: {  	p0 =	seq.s32 s5, $0x0;
	s5 =	sld [smem:$0x3FB2]  }
0x2b: {  	s6 =	sld [smem:$0x3FB3]  }
0x2c: {  	s7 =	sld [smem:$0x3FB4]  }
0x2d: {  	s3 =	simm.s32 $0x108;
	s8 =	sld [smem:$0x3FB5]  }
0x2e: {  	s3 =	simm.s32 @!p0 $0x1082;
	s9 =	sld [smem:$0x3FB6]  }
0x2f: {  	lr =	sadd.s32 s0, s3;
	s0 =	sld [smem:$0x3FAD]  }
0x30: {  	s3 =	sld [smem:$0x3FB0]  }
0x31: {  	[smem:$0x3FB9] =	sst s10  }
0x32: {  	s10 =	sld [smem:$0x3FB7];
	_ =	sdelay $0x3  }
0x33: {  	p0 =	seq.s32 s10, $0x1;
	s10 =	sld [smem:$0x3FB9];
	_ =	sdelay $0x3  }
0x34: {  	[smem:$0x3FB9] =	sst s10  }
0x35: {  	s10 =	sld [smem:$0x3FB8];
	_ =	sdelay $0x3  }
0x36: {  	p1 =	seq.s32 s10, $0x1;
	s10 =	sld [smem:$0x3FB9];
	_ =	sdelay $0x3  }
0x37: {  	[smem:$0x3FB9] =	sst s10  }
0x38: {  	s10 =	sld [smem:$0x3FBA]  }
0x39: {  	_ = 	snop;
	(pc) =	sbr.ind lr, $3  }
0x3a: {  	_ = 	snop  }
0x3b: {  	_ = 	snop  }
0x3c: {  	p2 =	seq.s32 s10, $0x1;
	s10 =	sld [smem:$0x3FB9]  }
0x3d: {  	_ =	shalt  }
0x3e: {  	_ =	shalt  }
0x3f: {  	_ =	shalt  }
0x40: {  	_ =	shalt  }
0x41: {  	_ =	shalt  }
0x42: {  	_ =	shalt  }
0x43: {  	_ =	shalt  }
0x44: {  	_ =	shalt  }
0x45: {  	_ =	shalt  }
0x46: {  	_ =	shalt  }
0x47: {  	_ =	shalt  }
0x48: {  	_ =	shalt  }
0x49: {  	_ =	shalt  }
0x4a: {  	_ =	shalt  }
0x4b: {  	_ =	shalt  }
0x4c: {  	_ =	shalt  }
0x4d: {  	_ =	shalt  }
0x4e: {  	_ =	shalt  }
0x4f: {  	_ =	shalt  }
0x50: {  	_ =	shalt  }
0x51: {  	_ =	shalt  }
0x52: {  	_ =	shalt  }
0x53: {  	_ =	shalt  }
0x54: {  	_ =	shalt  }
0x55: {  	_ =	shalt  }
0x56: {  	_ =	shalt  }
0x57: {  	_ =	shalt  }
0x58: {  	_ =	shalt  }
0x59: {  	_ =	shalt  }
0x5a: {  	_ =	shalt  }
0x5b: {  	_ =	shalt  }
0x5c: {  	_ =	shalt  }
0x5d: {  	_ =	shalt  }
0x5e: {  	_ =	shalt  }
0x5f: {  	_ =	shalt  }
0x60: {  	_ =	shalt  }
0x61: {  	_ =	shalt  }
0x62: {  	_ =	shalt  }
0x63: {  	_ =	shalt  }
0x64: {  	_ =	shalt  }
0x65: {  	_ =	shalt  }
0x66: {  	_ =	shalt  }
0x67: {  	_ =	shalt  }
0x68: {  	_ =	shalt  }
0x69: {  	_ =	shalt  }
0x6a: {  	_ =	shalt  }
0x6b: {  	_ =	shalt  }
0x6c: {  	_ =	shalt  }
0x6d: {  	_ =	shalt  }
0x6e: {  	_ =	shalt  }
0x6f: {  	_ =	shalt  }
0x70: {  	_ =	shalt  }
0x71: {  	_ =	shalt  }
0x72: {  	_ =	shalt  }
0x73: {  	_ =	shalt  }
0x74: {  	_ =	shalt  }
0x75: {  	_ =	shalt  }
0x76: {  	_ =	shalt  }
0x77: {  	_ =	shalt  }
0x78: {  	_ =	shalt  }
0x79: {  	_ =	shalt  }
0x7a: {  	_ =	shalt  }
0x7b: {  	_ =	shalt  }
0x7c: {  	_ =	shalt  }
0x7d: {  	_ =	shalt  }
0x7e: {  	_ =	shalt  }
0x7f: {  	_ =	shalt  }
0x80: {  	_ =	shalt  }
0x81: {  	_ =	shalt  }
0x82: {  	_ =	shalt  }
0x83: {  	_ =	shalt  }
0x84: {  	_ =	shalt  }
0x85: {  	_ =	shalt  }
0x86: {  	_ =	shalt  }
0x87: {  	_ =	shalt  }
.Lfunc_end0:
.L_simem_size_0:
called_computation_lowered:
.L_overlay_start_0:
0x88: {  	s2 =	sld [smem:$0x3FD9]  }
0x89: {  	s3 =	sld [smem:$0x3FFE];
	_ =	sdelay $0x1  }
0x8a: {  	s1 =	srdreg.scid  }
0x8b: {  	s0 =	sand.u32 $0x1, s1  }
0x8c: {  	s17 =	sshll.u32 s0, $0xA;
	s2 =	sadd.s32 s3, s2  }
0x8d: {  	s2 =	sadd.s32 s2, s17  }
0x8e: {  	[smem:$0x3FC5] =	sst s2  }
0x8f: {  	_ = 	snop  }
0x90: {  	s2 =	sld [smem:$0x3FD0];
	(tm) =	ssettm $0x1  }
0x91: {  	s18 =	sld [smem:$0x3FFB];
	_ =	sdelay $0x3  }
0x92: {  	_ =	strace s18  }
0x93: {  	s3 =	sld [smem:$0x3FFC];
	_ =	sdelay $0x3  }
0x94: {  	_ =	strace s3  }
0x95: {  	s3 =	sld [smem:$0x3FFD];
	_ =	sdelay $0x3  }
0x96: {  	_ =	strace s3  }
0x97: {  	_ =	strace $0x8FFFFFFF  }
0x98: {  	s19 =	sld [smem:$0x3FDB];
	_ =	sdelay $0x1  }
0x99: {  	s4 =	simm.s32 $_scs_section_size  }
0x9a: {  	s5 =	simm.s32 $_size__tile_overlayer_lowered;
	s6 =	simm.s32 $_tile_overlayer_lowered  }
0x9b: {  	s22 =	simm.s32 $0x1BFF;
	s21 =	sshll.u32 s6, $0x1;
	s3 =	sadd.s32 s4, s19  }
0x9c: {  	s7 =	simm.s32 $0x0;
	s20 =	sshll.u32 s5, $0x1;
	s5 =	sadd.s32 s21, s3  }
0x9d: {  	[timem:s7], [sflag:s22] =	dma.local [hbm:s5], s20  }
0x9e: {  	_ =	swait.ge [sflag:s22], s20  }
0x9f: {  	s4 =	ssub.s32 $0x0, s20;
	[sflag:s22] =	ssyncset.done $0x0  }
0xa0: {  	[sflag:s22] =	ssyncadd.s32 s4;
	_ =	sdelay $0x1  }
0xa1: {  	s23 =	simm.s32 $0x1B8B  }
0xa2: {  	_ =	swait.ge [sflag:s23], $0x1  }
0xa3: {  	[sflag:s23] =	ssyncset.done $0x0  }
0xa4: {  	s25 =	simm.s32 $0x1B8E;
	s24 =	sld [smem:$0x3FFE];
	[sflag:s23] =	ssyncadd.s32 $0xFFFFFFFF  }
0xa5: {  	s26 =	simm.s32 $execute0_lowered;
	[smem:$0x3FD2] =	sst s25  }
0xa6: {  	s5 =	sshll.u32 s26, $0x1;
	_ =	strace $0x80000046;
	[dreg:$0x1] =	wrdreg $0xFFFFFFFF  }
0xa7: {  	s28 =	simm.s32 $_size_execute0_lowered;
	s3 =	sadd.s32 s3, s5;
	[dreg:$0x0] =	wrdreg $0x0  }
0xa8: {  	s5 =	sshll.u32 s28, $0x1;
	[dreg:$0x2] =	wrdreg s3  }
0xa9: {  	[dreg:$0x3] =	wrdreg s5  }
0xaa: {  	[dreg:$0x4] =	wrdreg $0xC0  }
0xab: {  	_ =	task [dreg:s7], $0x5FFFF  }
0xac: {  	[dreg:$0x1] =	wrdreg $0xFFFFFFFF  }
0xad: {  	[dreg:$0x0] =	wrdreg $0x60  }
0xae: {  	[dreg:$0x2] =	wrdreg s2  }
0xaf: {  	[dreg:$0x3] =	wrdreg s24  }
0xb0: {  	[dreg:$0x4] =	wrdreg $0x9  }
0xb1: {  	_ =	task.clear_ibuf [dreg:s7], $0x5FFFF;
	_ =	strace $0x90000046  }
0xb2: {  	s29 =	simm.s32 $0x9;
	_ =	strace $0x80000048  }
0xb3: {  	_ =	swait.ge [sflag:s29], $0x1  }
0xb4: {  	[sflag:s29] =	ssyncadd.s32 $0xFFFFFFFF  }
0xb5: {  	_ =	strace $0x90000048  }
0xb6: {  	_ =	sfence  }
0xb7: {  	s30 =	sld [smem:$0x0];
	_ =	sdelay $0x2  }
0xb8: {  	s31 =	sshll.u32 s1, $0xD;
	s1 =	sshrl.u32 s1, $0x2  }
0xb9: {  	s3 =	sand.u32 $0x4000, s31;
	s1 =	sadd.s32 s1, s30  }
0xba: {  	s0 =	sor.u32 s3, s0;
	s1 =	sshll.u32 s1, $0x11  }
0xbb: {  	s0 =	sor.u32 s1, s0  }
0xbc: {  	s0 =	sadd.s32 $0x8F2B, s0  }
0xbd: {  	[sflag:s0] =	ssyncadd.remote.s32 $0x1  }
0xbe: {  	_ =	sfence.sel $0xFFFF  }
0xbf: {  	[dreg:$0x0] =	wrdreg $0xFFFFFFFF;
	(pc) =	sbr.abs _section_cstart, $3  }
0xc0: {  	[dreg:$0x1] =	wrdreg $0xFFFFFFFF  }
0xc1: {  	_ =	task.clear_ibuf [dreg:s7], $0x2FFFF;
	_ =	strace $0x9FFFFFFF  }
0xc2: {  	(tm) =	ssettm $0x7FFFFFFF  }
0xc3: {  	_ =	shalt  }
tec
execute0_lowered:
.L_overlay_start_1:
0x0: {  	(tag) =	ssettag $0x1  }
0x1: {  	s1 =	stileid.u32  }
0x2: {  	p0 =	sgt.u32 s1, $0x5  }
.Ltmp0:
0x3: {  	_ = 	snop;
	(pc) =	sbr.rel @p0 .LBB2_7-.Ltmp0, $4  }
0x4: {  	s4 =	rddreg [dreg:$0x0]  }
0x5: {  	s3 =	rddreg [dreg:$0x1];
	s2 =	simm.s32 $0x0  }
0x6: {  	[smem:$0x7FF] =	sst s2  }
0x7: {  	s0 =	rddreg [dreg:$0x2];
	_ =	strace $0x80000047  }
0x8: {  	s5 =	srdreg.scid;
	s6 =	sshll.u32 s1, $0x8  }
0x9: {  	s7 =	sshrl.u32 s1, $0x2;
	s9 =	simm.s32 $0x800;
	s10 =	simm.s32 $0x0  }
0xa: {  	s11 =	simm.s32 $0x0;
	s5 =	sand.u32 $0x1, s5;
	s6 =	sand.u32 $0x300, s6  }
0xb: {  	s30 =	sshll.u32 s7, $0xA;
	s8 =	sshll.u32 s5, $0x7;
	s5 =	ssub.s32 $0x2, s5  }
0xc: {  	s7 =	sshll.u32 s7, $0xE;
	s6 =	sor.u32 s8, s6;
	s31 =	sshrl.u32 s5, $0x1  }
0xd: {  	s8 =	sor.u32 s30, s6;
	s6 =	sor.u32 s7, s6;
	s5 =	ssub.s32 s5, s31  }
0xe: {  	s7 =	simm.s32 $0x400;
	s8 =	sshrl.u32 s8, $0x3;
	s6 =	sshrl.u32 s6, $0x3  }
0xf: {  	s5 =	smax.u32 s5, $0x1;
	s3 =	sadd.s32 s8, s3;
	s4 =	sadd.s32 s4, s6  }
0x10: {  	v0 =	vimm.f32 $-3.000000000e+00;
	v1 =	vimm.s32 $0xF4240;
	v2 =	vlaneseq.u32;
	s6 =	simm.s32 $0x80;
	s8 =	simm.s32 $0x1;
	s3 =	sadd.s32 $0x61A00, s3  }
.LBB2_2:
0x11: {  	[tilespmem:s11], [sflag:$0x1] =	stream.strided.gather [hbm4b:s4+s6], $0x800, s7, s6, $0x38;
	[tilespmem:$0x980] =	vst v63  }
0x12: {  	_ =	swait.ge [sflag:s8], $0x800  }
0x13: {  	[sflag:s8] =	ssyncset.done $0x0  }
0x14: {  	[sflag:s8] =	ssyncadd.s32 $0xFFFFF800  }
0x15: {  	[tilespmem:$0x890] =	vst v0  }
0x16: {  	[tilespmem:$0x910] =	vst v1  }
0x17: {  	[tilespmem:$0x800] =	vst v1  }
0x18: {  	[tilespmem:$0x810] =	vst v1  }
0x19: {  	s12 =	simm.s32 $0x0;
	[tilespmem:$0x820] =	vst v1  }
.LBB2_3:
0x1a: {  	s13 =	simm.s32 $0x20  }
0x1b: {  	v5 =	vld [tilespmem:s13+$0xFFFFFFE0];
	_ =	sdelay $0x1  }
0x1c: {  	v3 =	vld [tilespmem:s13+$0xFFFFFFF0];
	_ =	sdelay $0x1  }
0x1d: {  	v6 =	vimm.f32 $-2.000000000e+00;
	v4 =	vld [tilespmem:s13+$0x0]  }
0x1e: {  	vm0 =	vgt.f32 v5, v6  }
0x1f: {  	v7 =	vimm.s32 $0x0;
	v9 =	vor.u32 s11, v2;
	s15 =	simm.s32 $0x10;
	v8 =	vsel vm0, v5, v6;
	v6 =	vld [tilespmem:s13+$0x10]  }
0x20: {  	s14 =	simm.s32 $0x0;
	v5 =	vsel vm0, v9, v7;
	v7 =	vor.u32 s15, v2;
	s15 =	simm.s32 $0x60;
	s13 =	simm.s32 $0x0;
	vm0 =	vgt.f32 v3, v8  }
.LBB2_4:
0x21: {  	v9 =	vld [tilespmem:s15+$0xFFFFFFE0];
	s14 =	sadd.s32 $0x4, s14;
	v8 =	vsel vm0, v3, v8;
	v5 =	vsel vm0, v7, v5;
	s16 =	sadd.s32 $0x20, s13  }
0x22: {  	p0 =	slt.u32 s14, $0x7C;
	vm0 =	vgt.f32 v4, v8;
	v7 =	vor.u32 s16, v2  }
0x23: {  	s16 =	sadd.s32 $0x30, s13;
	v3 =	vld [tilespmem:s15+$0xFFFFFFF0];
	v8 =	vsel vm0, v4, v8;
	v5 =	vsel vm0, v7, v5  }
.Ltmp1:
0x24: {  	v7 =	vor.u32 s16, v2;
	vm0 =	vgt.f32 v6, v8;
	(pc) =	sbr.rel @p0 .LBB2_4-.Ltmp1, $4  }
0x25: {  	s13 =	sadd.s32 $0x40, s13;
	v4 =	vld [tilespmem:s15+$0x0];
	v6 =	vsel vm0, v6, v8;
	v5 =	vsel vm0, v7, v5  }
0x26: {  	v7 =	vor.u32 s13, v2;
	vm0 =	vgt.f32 v9, v6  }
0x27: {  	s16 =	sadd.s32 $0x10, s13;
	v8 =	vsel vm0, v9, v6;
	v5 =	vsel vm0, v7, v5;
	v6 =	vld [tilespmem:s15+$0x10]  }
0x28: {  	v7 =	vor.u32 s16, v2;
	s15 =	sadd.s32 $0x40, s15;
	vm0 =	vgt.f32 v3, v8  }
0x29: {  	v3 =	vsel vm0, v3, v8  }
0x2a: {  	vm1 =	vgt.f32 v4, v3  }
0x2b: {  	v3 =	vsel vm1, v4, v3  }
0x2c: {  	vm2 =	vgt.f32 v6, v3  }
0x2d: {  	v3 =	vsel vm2, v6, v3  }
0x2e: {  	[tilespmem:$0x880] =	vst v3  }
0x2f: {  	v51 =	vld [tilespmem:$0x888];
	_ =	sdelay $0x4  }
0x30: {  	v4 =	vmax.f32 v3, v51  }
0x31: {  	[tilespmem:$0x880] =	vst v4  }
0x32: {  	v52 =	vld [tilespmem:$0x884];
	_ =	sdelay $0x4  }
0x33: {  	v4 =	vmax.f32 v4, v52  }
0x34: {  	[tilespmem:$0x880] =	vst v4  }
0x35: {  	v53 =	vld [tilespmem:$0x882];
	_ =	sdelay $0x4  }
0x36: {  	v4 =	vmax.f32 v4, v53  }
0x37: {  	[tilespmem:$0x880] =	vst v4  }
0x38: {  	v54 =	vld [tilespmem:$0x881];
	_ =	sdelay $0x4  }
0x39: {  	s14 =	sadd.s32 $0x20, s13;
	v4 =	vmax.f32 v4, v54  }
0x3a: {  	v5 =	vsel vm0, v7, v5;
	s26 =	sadd.s32 $0x30, s13;
	v55 =	vor.u32 s14, v2;
	v4 =	vbroadcast v4, $0x0  }
0x3b: {  	v56 =	vor.u32 s26, v2;
	v5 =	vsel vm1, v55, v5  }
0x3c: {  	v5 =	vsel vm2, v56, v5;
	vm13 =	veq.f32 v3, v4  }
0x3d: {  	v3 =	vnsel vm13, $0xF4240, v5  }
0x3e: {  	[tilespmem:$0x900] =	vst v3  }
0x3f: {  	v57 =	vld [tilespmem:$0x908];
	_ =	sdelay $0x4  }
0x40: {  	vm0 =	vlt.s32 v3, v57  }
0x41: {  	v3 =	vsel vm0, v3, v57  }
0x42: {  	[tilespmem:$0x900] =	vst v3  }
0x43: {  	v58 =	vld [tilespmem:$0x904];
	_ =	sdelay $0x4  }
0x44: {  	vm0 =	vlt.s32 v3, v58  }
0x45: {  	v3 =	vsel vm0, v3, v58  }
0x46: {  	[tilespmem:$0x900] =	vst v3  }
0x47: {  	v59 =	vld [tilespmem:$0x902];
	_ =	sdelay $0x4  }
0x48: {  	vm0 =	vlt.s32 v3, v59  }
0x49: {  	v3 =	vsel vm0, v3, v59  }
0x4a: {  	[tilespmem:$0x900] =	vst v3  }
0x4b: {  	v60 =	vld [tilespmem:$0x901];
	_ =	sdelay $0x4  }
0x4c: {  	vm0 =	vlt.s32 v3, v60  }
0x4d: {  	v3 =	vsel vm0, v3, v60  }
0x4e: {  	(v2sf) =	vpush v3, $0x0;
	_ =	sdelay $0xe  }
0x4f: {  	s28 =	spop (v2sf)  }
0x50: {  	s29 =	sand.u32 $0xFFFFFFF0, s28  }
0x51: {  	v61 =	vld [tilespmem:s29+$0x0];
	_ =	sdelay $0x1  }
0x52: {  	s13 =	sand.u32 $0xF, s28  }
0x53: {  	v62 =	vmov s13  }
0x54: {  	vm14 =	veq.s32 v62, v2  }
0x55: {  	v4 =	vsel vm14, $0xBF800000, v61  }
0x56: {  	s30 =	sand.u32 $0x30, s12;
	[tilespmem:s29+$0x0] =	vst v4  }
0x57: {  	s31 =	sand.u32 $0xF, s12;
	s12 =	sadd.s32 $0x1, s12;
	v4 =	vld [tilespmem:s30+$0x800]  }
0x58: {  	p0 =	sne.s32 s12, $0x28  }
.Ltmp2:
0x59: {  	_ = 	snop;
	(pc) =	sbr.rel @p0 .LBB2_3-.Ltmp2, $4  }
0x5a: {  	v63 =	vmov s31;
	v3 =	vbroadcast v3, $0x0  }
0x5b: {  	vm15 =	veq.s32 v63, v2  }
0x5c: {  	v3 =	vsel vm15, v3, v4  }
0x5d: {  	[tilespmem:s30+$0x800] =	vst v3  }
0x5e: {  	s10 =	sadd.s32 $0x1, s10  }
0x5f: {  	p0 =	sne.s32 s10, s5  }
.Ltmp3:
0x60: {  	_ = 	snop;
	(pc) =	sbr.rel @p0 .LBB2_2-.Ltmp3, $4  }
0x61: {  	[hbm4b:s3+s2] =	stream.linear.scatter [tilespmem:s9], [sflag:$0x1], $0x80, $0x38;
	[tilespmem:$0x980] =	vst v63  }
0x62: {  	_ =	swait.ge [sflag:s8], $0x80  }
0x63: {  	[sflag:s8] =	ssyncset.done $0x0  }
0x64: {  	[sflag:s8] =	ssyncadd.s32 $0xFFFFFF80  }
.LBB2_7:
0x65: {  	_ =	sfence.sel $0x180000  }
0x66: {  	[bflag:$0x0] =	sbarrier.arrive $0xFFFF  }
0x67: {  	p0 =	sne.s32 s1, $0x0;
	_ =	strace $0x90000047  }
0x68: {  	s0 =	sadd.s32 @!p0 $0x100000, s0;
	[bflag:$0x2] =	sbarrier.arrive $0xFFFF  }
0x69: {  	[sflag:s0] =	ssyncadd.tile.s32 @!p0 $0x1;
	_ =	shalt  }
.Lfunc_end2:
_tile_overlayer_lowered:
.L_overlay_start_2:
0x6a: {  	(tag) =	ssettag $0x2  }
0x6b: {  	s0 =	rddreg [dreg:$0x0];
	s2 =	stileid.u32  }
0x6c: {  	s1 =	rddreg [dreg:$0x1];
	p0 =	sne.s32 s2, $0x0  }
0x6d: {  	s3 =	rddreg [dreg:$0x2];
	[bflag:$0x3] =	sbarrier.arrive $0xFFFF;
	s2 =	simm.s32 @!p0 $0x1C01  }
0x6e: {  	[timem:s3], [sflag:s2] =	dma.local @!p0 [hbm:s0], s1  }
0x6f: {  	s0 =	simm.s32 @!p0 $0x1  }
0x70: {  	_ =	swait.ge @!p0 [sflag:s0], s1  }
0x71: {  	s1 =	ssub.s32 @!p0 $0x0, s1;
	[sflag:s0] =	ssyncset.done @!p0 $0x0  }
0x72: {  	[sflag:s0] =	ssyncadd.s32 @!p0 s1  }
0x73: {  	[bflag:$0x3] =	sbarrier.arrive $0xFFFF  }
0x74: {  	_ =	shalt  }

// kernel: kernel.9.cloned.1.call-start
scs
__scs_entry_jumppad:
0x0: {  	(pc) =	sbr.rel $0x88, $3  }
0x1: {  	(tag) =	ssettag $0x0;
	lr =	simm.s32 $0x1  }
0x2: {  	[smem:$0x3F9E] =	sst lr;
	_ =	strace $0xD0000000  }
0x3: {  	_ = 	snop  }
0x4: {  	_ = 	snop  }
0x5: {  	_ = 	snop  }
0x6: {  	_ = 	snop  }
0x7: {  	_ = 	snop  }
__scs_overlays_trampoline_lowered:
0x8: {  	[smem:$0x3FAD] =	sst s0  }
0x9: {  	[smem:$0x3FAE] =	sst s1  }
0xa: {  	[smem:$0x3FAF] =	sst s2  }
0xb: {  	[smem:$0x3FB0] =	sst s3  }
0xc: {  	[smem:$0x3FB1] =	sst s4  }
0xd: {  	[smem:$0x3FB2] =	sst s5  }
0xe: {  	[smem:$0x3FB3] =	sst s6  }
0xf: {  	[smem:$0x3FB4] =	sst s7  }
0x10: {  	[smem:$0x3FB5] =	sst s8  }
0x11: {  	[smem:$0x3FB6] =	sst s9;
	s0 =	simm.s32 @!p0 $0x0  }
0x12: {  	s1 =	sld [smem:$0x3F9C];
	s0 =	simm.s32 @p0 $0x1  }
0x13: {  	[smem:$0x3FB7] =	sst s0;
	s0 =	simm.s32 @!p1 $0x0  }
0x14: {  	s2 =	sld [smem:$0x3F9B];
	s0 =	simm.s32 @p1 $0x1  }
0x15: {  	[smem:$0x3FB8] =	sst s0;
	s0 =	simm.s32 @!p2 $0x0  }
0x16: {  	s3 =	sld [smem:$0x3FDB];
	s0 =	simm.s32 @p2 $0x1  }
0x17: {  	s4 =	simm.s32 $0x1BF5;
	[smem:$0x3FBA] =	sst s0  }
0x18: {  	s0 =	sld [smem:$0x3F9D];
	_ =	swait.ge [sflag:s4], $0x0  }
0x19: {  	s7 =	sld [smem:$0x3F9E]  }
0x1a: {  	s8 =	sadd.s32 $0xFFFFE003, lr  }
0x1b: {  	s9 =	sadd.s32 $0xFFFFFEF7, lr;
	s5 =	simm.s32 $0xFFFFFFFF;
	p2 =	slt.u32 s8, $0xFFFFF086  }
0x1c: {  	p1 =	slt.u32 s9, $0xF7A;
	s5 =	simm.s32 @!p2 $0x0  }
0x1d: {  	s5 =	simm.s32 @p1 $0x1;
	p0 =	seq.s32 s7, s2  }
0x1e: {  	s7 =	smul.u32 @!p0 $0xF7A, s2;
	p2 =	seq.s32 @!p0 s5, $0x0  }
0x1f: {  	s9 =	smul.u32 $0xF7A, s1;
	s8 =	simm.s32 @!p0 $0x1BF5;
	p2 =	por !p2, p0  }
0x20: {  	[sflag:s8] =	ssyncset.s32 @!p0 $0xFFFFF086;
	s6 =	sadd.s32 @!p0 s3, s7;
	s7 =	simm.s32 @!p0 $0x108  }
0x21: {  	s3 =	sadd.s32 s3, s9;
	s6 =	sadd.s32 @!p0 $0x88, s6;
	s7 =	simm.s32 @p2 $0x1082  }
0x22: {  	[simem:s7], [sflag:s8] =	dma.local @!p0 [hbm:s6], $0xF7A  }
0x23: {  	s9 =	sor.u32 $0xD0000000, s2;
	s6 =	simm.s32 $0x108;
	_ =	swait.ge @!p0 [sflag:s8], $0x0  }
0x24: {  	s3 =	sadd.s32 $0x88, s3;
	s6 =	simm.s32 @!p1 $0x1082;
	[sflag:s4] =	ssyncset.s32 $0xFFFFF086  }
0x25: {  	[simem:s6], [sflag:s4] =	dma.local [hbm:s3], $0xF7A  }
0x26: {  	[smem:$0x3F9E] =	sst s1;
	(tag) =	ssettag s2;
	_ =	strace s9  }
0x27: {  	s1 =	sld [smem:$0x3FAE]  }
0x28: {  	s2 =	sld [smem:$0x3FAF]  }
0x29: {  	s4 =	sld [smem:$0x3FB1]  }
0x2a: {  	p0 =	seq.s32 s5, $0x0;
	s5 =	sld [smem:$0x3FB2]  }
0x2b: {  	s6 =	sld [smem:$0x3FB3]  }
0x2c: {  	s7 =	sld [smem:$0x3FB4]  }
0x2d: {  	s3 =	simm.s32 $0x108;
	s8 =	sld [smem:$0x3FB5]  }
0x2e: {  	s3 =	simm.s32 @!p0 $0x1082;
	s9 =	sld [smem:$0x3FB6]  }
0x2f: {  	lr =	sadd.s32 s0, s3;
	s0 =	sld [smem:$0x3FAD]  }
0x30: {  	s3 =	sld [smem:$0x3FB0]  }
0x31: {  	[smem:$0x3FB9] =	sst s10  }
0x32: {  	s10 =	sld [smem:$0x3FB7];
	_ =	sdelay $0x3  }
0x33: {  	p0 =	seq.s32 s10, $0x1;
	s10 =	sld [smem:$0x3FB9];
	_ =	sdelay $0x3  }
0x34: {  	[smem:$0x3FB9] =	sst s10  }
0x35: {  	s10 =	sld [smem:$0x3FB8];
	_ =	sdelay $0x3  }
0x36: {  	p1 =	seq.s32 s10, $0x1;
	s10 =	sld [smem:$0x3FB9];
	_ =	sdelay $0x3  }
0x37: {  	[smem:$0x3FB9] =	sst s10  }
0x38: {  	s10 =	sld [smem:$0x3FBA]  }
0x39: {  	_ = 	snop;
	(pc) =	sbr.ind lr, $3  }
0x3a: {  	_ = 	snop  }
0x3b: {  	_ = 	snop  }
0x3c: {  	p2 =	seq.s32 s10, $0x1;
	s10 =	sld [smem:$0x3FB9]  }
0x3d: {  	_ =	shalt  }
0x3e: {  	_ =	shalt  }
0x3f: {  	_ =	shalt  }
0x40: {  	_ =	shalt  }
0x41: {  	_ =	shalt  }
0x42: {  	_ =	shalt  }
0x43: {  	_ =	shalt  }
0x44: {  	_ =	shalt  }
0x45: {  	_ =	shalt  }
0x46: {  	_ =	shalt  }
0x47: {  	_ =	shalt  }
0x48: {  	_ =	shalt  }
0x49: {  	_ =	shalt  }
0x4a: {  	_ =	shalt  }
0x4b: {  	_ =	shalt  }
0x4c: {  	_ =	shalt  }
0x4d: {  	_ =	shalt  }
0x4e: {  	_ =	shalt  }
0x4f: {  	_ =	shalt  }
0x50: {  	_ =	shalt  }
0x51: {  	_ =	shalt  }
0x52: {  	_ =	shalt  }
0x53: {  	_ =	shalt  }
0x54: {  	_ =	shalt  }
0x55: {  	_ =	shalt  }
0x56: {  	_ =	shalt  }
0x57: {  	_ =	shalt  }
0x58: {  	_ =	shalt  }
0x59: {  	_ =	shalt  }
0x5a: {  	_ =	shalt  }
0x5b: {  	_ =	shalt  }
0x5c: {  	_ =	shalt  }
0x5d: {  	_ =	shalt  }
0x5e: {  	_ =	shalt  }
0x5f: {  	_ =	shalt  }
0x60: {  	_ =	shalt  }
0x61: {  	_ =	shalt  }
0x62: {  	_ =	shalt  }
0x63: {  	_ =	shalt  }
0x64: {  	_ =	shalt  }
0x65: {  	_ =	shalt  }
0x66: {  	_ =	shalt  }
0x67: {  	_ =	shalt  }
0x68: {  	_ =	shalt  }
0x69: {  	_ =	shalt  }
0x6a: {  	_ =	shalt  }
0x6b: {  	_ =	shalt  }
0x6c: {  	_ =	shalt  }
0x6d: {  	_ =	shalt  }
0x6e: {  	_ =	shalt  }
0x6f: {  	_ =	shalt  }
0x70: {  	_ =	shalt  }
0x71: {  	_ =	shalt  }
0x72: {  	_ =	shalt  }
0x73: {  	_ =	shalt  }
0x74: {  	_ =	shalt  }
0x75: {  	_ =	shalt  }
0x76: {  	_ =	shalt  }
0x77: {  	_ =	shalt  }
0x78: {  	_ =	shalt  }
0x79: {  	_ =	shalt  }
0x7a: {  	_ =	shalt  }
0x7b: {  	_ =	shalt  }
0x7c: {  	_ =	shalt  }
0x7d: {  	_ =	shalt  }
0x7e: {  	_ =	shalt  }
0x7f: {  	_ =	shalt  }
0x80: {  	_ =	shalt  }
0x81: {  	_ =	shalt  }
0x82: {  	_ =	shalt  }
0x83: {  	_ =	shalt  }
0x84: {  	_ =	shalt  }
0x85: {  	_ =	shalt  }
0x86: {  	_ =	shalt  }
0x87: {  	_ =	shalt  }
.Lfunc_end0:
.L_simem_size_0:
called_computation.1_lowered:
.L_overlay_start_0:
0x88: {  	s2 =	sld [smem:$0x3FD9]  }
0x89: {  	s3 =	sld [smem:$0x3FFE];
	_ =	sdelay $0x1  }
0x8a: {  	s1 =	srdreg.scid  }
0x8b: {  	s0 =	sand.u32 $0x1, s1  }
0x8c: {  	s17 =	sshll.u32 s0, $0xA;
	s2 =	sadd.s32 s3, s2  }
0x8d: {  	s2 =	sadd.s32 s2, s17  }
0x8e: {  	[smem:$0x3FC5] =	sst s2  }
0x8f: {  	_ = 	snop  }
0x90: {  	s2 =	sld [smem:$0x3FD0];
	(tm) =	ssettm $0x1  }
0x91: {  	s18 =	sld [smem:$0x3FFB];
	_ =	sdelay $0x3  }
0x92: {  	_ =	strace s18  }
0x93: {  	s3 =	sld [smem:$0x3FFC];
	_ =	sdelay $0x3  }
0x94: {  	_ =	strace s3  }
0x95: {  	s3 =	sld [smem:$0x3FFD];
	_ =	sdelay $0x3  }
0x96: {  	_ =	strace s3  }
0x97: {  	_ =	strace $0x8FFFFFFF  }
0x98: {  	s19 =	sld [smem:$0x3FDB];
	_ =	sdelay $0x1  }
0x99: {  	s4 =	simm.s32 $_scs_section_size  }
0x9a: {  	s5 =	simm.s32 $_size__tile_overlayer_lowered;
	s6 =	simm.s32 $_tile_overlayer_lowered  }
0x9b: {  	s22 =	simm.s32 $0x1BFF;
	s21 =	sshll.u32 s6, $0x1;
	s3 =	sadd.s32 s4, s19  }
0x9c: {  	s7 =	simm.s32 $0x0;
	s20 =	sshll.u32 s5, $0x1;
	s5 =	sadd.s32 s21, s3  }
0x9d: {  	[timem:s7], [sflag:s22] =	dma.local [hbm:s5], s20  }
0x9e: {  	_ =	swait.ge [sflag:s22], s20  }
0x9f: {  	s4 =	ssub.s32 $0x0, s20;
	[sflag:s22] =	ssyncset.done $0x0  }
0xa0: {  	[sflag:s22] =	ssyncadd.s32 s4;
	_ =	sdelay $0x1  }
0xa1: {  	s23 =	simm.s32 $0x1B8B  }
0xa2: {  	_ =	swait.ge [sflag:s23], $0x1  }
0xa3: {  	[sflag:s23] =	ssyncset.done $0x0  }
0xa4: {  	s25 =	simm.s32 $0x1B8E;
	s24 =	sld [smem:$0x3FFE];
	[sflag:s23] =	ssyncadd.s32 $0xFFFFFFFF  }
0xa5: {  	s26 =	simm.s32 $execute0_lowered;
	[smem:$0x3FD2] =	sst s25  }
0xa6: {  	s5 =	sshll.u32 s26, $0x1;
	_ =	strace $0x80000049;
	[dreg:$0x1] =	wrdreg $0xFFFFFFFF  }
0xa7: {  	s28 =	simm.s32 $_size_execute0_lowered;
	s3 =	sadd.s32 s3, s5;
	[dreg:$0x0] =	wrdreg $0x0  }
0xa8: {  	s5 =	sshll.u32 s28, $0x1;
	[dreg:$0x2] =	wrdreg s3  }
0xa9: {  	[dreg:$0x3] =	wrdreg s5  }
0xaa: {  	[dreg:$0x4] =	wrdreg $0xC0  }
0xab: {  	_ =	task [dreg:s7], $0x5FFFF  }
0xac: {  	[dreg:$0x1] =	wrdreg $0xFFFFFFFF  }
0xad: {  	[dreg:$0x0] =	wrdreg $0x60  }
0xae: {  	[dreg:$0x2] =	wrdreg s24  }
0xaf: {  	[dreg:$0x3] =	wrdreg s2  }
0xb0: {  	[dreg:$0x4] =	wrdreg $0x9  }
0xb1: {  	_ =	task.clear_ibuf [dreg:s7], $0x5FFFF;
	_ =	strace $0x90000049  }
0xb2: {  	s29 =	simm.s32 $0x9;
	_ =	strace $0x8000004B  }
0xb3: {  	_ =	swait.ge [sflag:s29], $0x1  }
0xb4: {  	[sflag:s29] =	ssyncadd.s32 $0xFFFFFFFF  }
0xb5: {  	_ =	strace $0x9000004B  }
0xb6: {  	_ =	sfence  }
0xb7: {  	s30 =	sld [smem:$0x0];
	_ =	sdelay $0x2  }
0xb8: {  	s31 =	sshll.u32 s1, $0xD;
	s1 =	sshrl.u32 s1, $0x2  }
0xb9: {  	s3 =	sand.u32 $0x4000, s31;
	s1 =	sadd.s32 s1, s30  }
0xba: {  	s0 =	sor.u32 s3, s0;
	s1 =	sshll.u32 s1, $0x11  }
0xbb: {  	s0 =	sor.u32 s1, s0  }
0xbc: {  	s0 =	sadd.s32 $0x8F2B, s0  }
0xbd: {  	[sflag:s0] =	ssyncadd.remote.s32 $0x1  }
0xbe: {  	_ =	sfence.sel $0xFFFF  }
0xbf: {  	[dreg:$0x0] =	wrdreg $0xFFFFFFFF;
	(pc) =	sbr.abs _section_cstart, $3  }
0xc0: {  	[dreg:$0x1] =	wrdreg $0xFFFFFFFF  }
0xc1: {  	_ =	task.clear_ibuf [dreg:s7], $0x2FFFF;
	_ =	strace $0x9FFFFFFF  }
0xc2: {  	(tm) =	ssettm $0x7FFFFFFF  }
0xc3: {  	_ =	shalt  }
tec
execute0_lowered:
.L_overlay_start_1:
0x0: {  	(tag) =	ssettag $0x1  }
0x1: {  	s5 =	rddreg [dreg:$0x0]  }
0x2: {  	s10 =	rddreg [dreg:$0x1]  }
0x3: {  	s0 =	rddreg [dreg:$0x2];
	s3 =	srdreg.scid  }
0x4: {  	s1 =	stileid.u32;
	s2 =	simm.s32 $0x0;
	s13 =	simm.s32 $0x1  }
0x5: {  	s14 =	simm.s32 $0xC000;
	s3 =	sand.u32 $0x1, s3;
	s4 =	sshll.u32 s1, $0x1  }
0x6: {  	s15 =	simm.s32 $0x0;
	[smem:$0x7FF] =	sst s2;
	s7 =	sor.u32 s3, s4  }
0x7: {  	_ =	strace $0x8000004A;
	s6 =	ssub.s32 $0x2, s3;
	s3 =	smul.u32 $0x300, s7  }
0x8: {  	s4 =	sadd.s32 $0x1A00, s5;
	s5 =	sadd.s32 $0x2C00, s5;
	s8 =	sshrl.u32 s6, $0x1  }
0x9: {  	s12 =	smul.u32 $0x1800, s7;
	s11 =	ssub.s32 s6, s8;
	s6 =	sadd.s32 $0x300, s3  }
0xa: {  	s7 =	sadd.s32 $0x2FF, s3;
	s8 =	sadd.s32 $0x2FE, s3;
	s9 =	sadd.s32 $0x2FD, s3  }
0xb: {  	v0 =	vimm.f32 $0.0e+00;
	s10 =	sadd.s32 s10, s12;
	s11 =	smax.u32 s11, $0x1;
	s12 =	simm.s32 $0x15000  }
.LBB2_1:
0xc: {  	[tilespmem:s12], [sflag:$0x1] =	stream.linear.gather [hbm4b:s5+s2], $0x280, $0x38;
	[tilespmem:$0x15280] =	vst v63  }
0xd: {  	_ =	swait.ge [sflag:s13], $0x280  }
0xe: {  	[sflag:s13] =	ssyncset.done $0x0  }
0xf: {  	[sflag:s13] =	ssyncadd.s32 $0xFFFFFD80  }
0x10: {  	[tilespmem:s14], [sflag:$0x1] =	stream.linear.gather [hbm4b:s4+s2], $0x9000, $0x38;
	[tilespmem:$0x15280] =	vst v63  }
0x11: {  	_ =	swait.ge [sflag:s13], $0x9000  }
0x12: {  	[sflag:s13] =	ssyncset.done $0x0  }
0x13: {  	s16 =	simm.s32 $0x0;
	[sflag:s13] =	ssyncadd.s32 $0xFFFF7000  }
.LBB2_2:
0x14: {  	p0 =	sne.s32 s16, $0x2FFC0  }
.Ltmp0:
0x15: {  	_ = 	snop;
	(pc) =	sbr.rel @p0 .LBB2_2-.Ltmp0, $3  }
0x16: {  	_ =	sdelay $0x1  }
0x17: {  	s17 =	sshra.s32 s16, $0x2  }
0x18: {  	s16 =	sadd.s32 $0x40, s16;
	[tilespmem:s17+$0x0] =	vst v0  }
0x19: {  	s16 =	simm.s32 $0x0  }
0x1a: {  	v1 =	vld [tilespmem:s16+$0x15000];
	_ =	sdelay $0x4  }
0x1b: {  	(v2sf) =	vpush v1, $0x0;
	_ =	sdelay $0xe  }
0x1c: {  	s31 =	spop (v2sf)  }
0x1d: {  	s17 =	smul.u32 $0xC, s31;
	_ =	sdelay $0x1  }
0x1e: {  	p0 =	slt.s32 s17, s3  }
0x1f: {  	p1 =	sge.s32 @!p0 s17, s6  }
0x20: {  	s16 =	simm.s32 $0xC020;
	p1 =	por p1, p0  }
0x21: {  	v1 =	vld @!p1 [tilespmem:s16+$0xFFFFFFE0];
	_ =	sdelay $0x1  }
0x22: {  	s17 =	ssub.s32 @!p1 s17, s3  }
0x23: {  	s17 =	sshll.u32 @!p1 s17, $0x8  }
0x24: {  	s18 =	sshra.s32 @!p1 s17, $0x2  }
0x25: {  	[tilespmem:s18+$0x0] =	vst @!p1 v1  }
0x26: {  	v1 =	vld @!p1 [tilespmem:s16+$0xFFFFFFF0];
	_ =	sdelay $0x4  }
0x27: {  	[tilespmem:s18+$0x10] =	vst @!p1 v1  }
0x28: {  	v1 =	vld @!p1 [tilespmem:s16+$0x0];
	_ =	sdelay $0x4  }
0x29: {  	[tilespmem:s18+$0x20] =	vst @!p1 v1  }
0x2a: {  	s17 =	simm.s32 $0x4;
	v1 =	vld @!p1 [tilespmem:s16+$0x10]  }
.LBB2_4:
0x2b: {  	_ =	sdelay $0x3  }
0x2c: {  	s19 =	sshra.s32 s17, $0x2;
	s17 =	sadd.s32 $0x4, s17;
	[tilespmem:s18+$0x30] =	vst @!p1 v1  }
0x2d: {  	p0 =	sne.s32 s17, $0xA0;
	v1 =	vld [tilespmem:s19+$0x15000];
	_ =	sdelay $0x4  }
0x2e: {  	(v2sf) =	vpush v1, $0x0;
	_ =	sdelay $0xe  }
0x2f: {  	s18 =	spop (v2sf)  }
0x30: {  	s18 =	smul.u32 $0xC, s18;
	_ =	sdelay $0x1  }
0x31: {  	p1 =	slt.s32 s18, s3  }
0x32: {  	p2 =	sge.s32 @!p1 s18, s6  }
0x33: {  	s16 =	sadd.s32 $0x40, s16;
	p1 =	por p2, p1  }
0x34: {  	v1 =	vld @!p1 [tilespmem:s16+$0xFFFFFFE0];
	_ =	sdelay $0x1  }
0x35: {  	s18 =	ssub.s32 @!p1 s18, s3  }
0x36: {  	s18 =	sshll.u32 @!p1 s18, $0x8  }
0x37: {  	s18 =	sshra.s32 @!p1 s18, $0x2  }
0x38: {  	[tilespmem:s18+$0x0] =	vst @!p1 v1  }
0x39: {  	v1 =	vld @!p1 [tilespmem:s16+$0xFFFFFFF0];
	_ =	sdelay $0x4  }
0x3a: {  	[tilespmem:s18+$0x10] =	vst @!p1 v1  }
0x3b: {  	v1 =	vld @!p1 [tilespmem:s16+$0x0];
	_ =	sdelay $0x1  }
.Ltmp1:
0x3c: {  	(pc) =	sbr.rel @p0 .LBB2_4-.Ltmp1, $3  }
0x3d: {  	_ =	sdelay $0x1  }
0x3e: {  	[tilespmem:s18+$0x20] =	vst @!p1 v1  }
0x3f: {  	v1 =	vld @!p1 [tilespmem:s16+$0x10]  }
0x40: {  	_ =	sdelay $0x3  }
0x41: {  	s16 =	simm.s32 $0x0;
	[tilespmem:s18+$0x30] =	vst @!p1 v1  }
0x42: {  	v1 =	vld [tilespmem:s16+$0x15030];
	_ =	sdelay $0x4  }
0x43: {  	(v2sf) =	vpush v1, $0x0;
	_ =	sdelay $0xe  }
0x44: {  	s31 =	spop (v2sf)  }
0x45: {  	s16 =	smul.u32 $0xC, s31;
	_ =	sdelay $0x1  }
0x46: {  	s17 =	sor.u32 $0x1, s16;
	p0 =	sge.s32 s16, s7  }
0x47: {  	p1 =	slt.s32 @!p0 s17, s3  }
0x48: {  	s16 =	simm.s32 $0xCC30;
	p1 =	por p1, p0  }
0x49: {  	v1 =	vld @!p1 [tilespmem:s16+$0xFFFFFFD0];
	_ =	sdelay $0x2  }
0x4a: {  	s17 =	ssub.s32 @!p1 s17, s3  }
0x4b: {  	s19 =	sshll.u32 @!p1 s17, $0x6  }
0x4c: {  	[tilespmem:s19+$0x0] =	vst @!p1 v1  }
0x4d: {  	v1 =	vld @!p1 [tilespmem:s16+$0xFFFFFFE0];
	_ =	sdelay $0x3  }
0x4e: {  	s17 =	sor.u32 @!p1 $0x50, s19  }
0x4f: {  	[tilespmem:s17+$0x0] =	vst @!p1 v1  }
0x50: {  	v1 =	vld @!p1 [tilespmem:s16+$0xFFFFFFF0];
	_ =	sdelay $0x3  }
0x51: {  	s17 =	sor.u32 @!p1 $0x60, s19  }
0x52: {  	[tilespmem:s17+$0x0] =	vst @!p1 v1  }
0x53: {  	s18 =	simm.s32 $0x4;
	s19 =	sor.u32 @!p1 $0x70, s19;
	s17 =	simm.s32 $0x8;
	v1 =	vld @!p1 [tilespmem:s16+$0x0]  }
.LBB2_6:
0x54: {  	_ =	sdelay $0x2  }
0x55: {  	s20 =	sshra.s32 s18, $0x2  }
0x56: {  	s16 =	sadd.s32 $0x40, s16;
	s18 =	smov.u32 s17;
	s17 =	sadd.s32 $0x4, s17;
	[tilespmem:s19+$0x0] =	vst @!p1 v1  }
0x57: {  	p0 =	sne.s32 s17, $0xA0;
	v1 =	vld [tilespmem:s20+$0x15030];
	_ =	sdelay $0x4  }
0x58: {  	(v2sf) =	vpush v1, $0x0;
	_ =	sdelay $0xe  }
0x59: {  	s19 =	spop (v2sf)  }
0x5a: {  	s19 =	smul.u32 $0xC, s19;
	_ =	sdelay $0x1  }
0x5b: {  	s20 =	sor.u32 $0x1, s19;
	p1 =	sge.s32 s19, s7  }
0x5c: {  	p2 =	slt.s32 @!p1 s20, s3  }
0x5d: {  	p1 =	por p2, p1  }
0x5e: {  	s19 =	ssub.s32 @!p1 s20, s3;
	v1 =	vld @!p1 [tilespmem:s16+$0xFFFFFFD0]  }
0x5f: {  	s20 =	sshll.u32 @!p1 s19, $0x6  }
0x60: {  	s21 =	sor.u32 @!p1 $0x50, s20;
	s22 =	sor.u32 @!p1 $0x60, s20;
	s19 =	sor.u32 @!p1 $0x70, s20  }
0x61: {  	_ =	sdelay $0x1  }
0x62: {  	[tilespmem:s20+$0x0] =	vst @!p1 v1  }
0x63: {  	v1 =	vld @!p1 [tilespmem:s16+$0xFFFFFFE0];
	_ =	sdelay $0x4  }
0x64: {  	[tilespmem:s21+$0x0] =	vst @!p1 v1  }
0x65: {  	v1 =	vld @!p1 [tilespmem:s16+$0xFFFFFFF0];
	_ =	sdelay $0x1  }
.Ltmp2:
0x66: {  	(pc) =	sbr.rel @p0 .LBB2_6-.Ltmp2, $3  }
0x67: {  	_ =	sdelay $0x1  }
0x68: {  	[tilespmem:s22+$0x0] =	vst @!p1 v1  }
0x69: {  	v1 =	vld @!p1 [tilespmem:s16+$0x0]  }
0x6a: {  	_ =	sdelay $0x3  }
0x6b: {  	s17 =	sshra.s32 s18, $0x2;
	[tilespmem:s19+$0x0] =	vst @!p1 v1  }
0x6c: {  	v1 =	vld [tilespmem:s17+$0x15030];
	_ =	sdelay $0x4  }
0x6d: {  	(v2sf) =	vpush v1, $0x0;
	_ =	sdelay $0xe  }
0x6e: {  	s29 =	spop (v2sf)  }
0x6f: {  	s17 =	smul.u32 $0xC, s29;
	_ =	sdelay $0x1  }
0x70: {  	s18 =	sor.u32 $0x1, s17;
	p0 =	sge.s32 s17, s7  }
0x71: {  	p1 =	slt.s32 @!p0 s18, s3  }
0x72: {  	s16 =	sadd.s32 $0x40, s16;
	p0 =	por p1, p0  }
0x73: {  	v1 =	vld @!p0 [tilespmem:s16+$0xFFFFFFD0];
	_ =	sdelay $0x2  }
0x74: {  	s17 =	ssub.s32 @!p0 s18, s3  }
0x75: {  	s17 =	sshll.u32 @!p0 s17, $0x6  }
0x76: {  	[tilespmem:s17+$0x0] =	vst @!p0 v1  }
0x77: {  	v1 =	vld @!p0 [tilespmem:s16+$0xFFFFFFE0];
	_ =	sdelay $0x3  }
0x78: {  	s18 =	sor.u32 @!p0 $0x50, s17  }
0x79: {  	[tilespmem:s18+$0x0] =	vst @!p0 v1  }
0x7a: {  	v1 =	vld @!p0 [tilespmem:s16+$0xFFFFFFF0];
	_ =	sdelay $0x3  }
0x7b: {  	s18 =	sor.u32 @!p0 $0x60, s17  }
0x7c: {  	[tilespmem:s18+$0x0] =	vst @!p0 v1  }
0x7d: {  	v1 =	vld @!p0 [tilespmem:s16+$0x0];
	_ =	sdelay $0x3  }
0x7e: {  	s16 =	sor.u32 @!p0 $0x70, s17  }
0x7f: {  	s30 =	simm.s32 $0x0;
	[tilespmem:s16+$0x0] =	vst @!p0 v1  }
0x80: {  	v1 =	vld [tilespmem:s30+$0x15060];
	_ =	sdelay $0x4  }
0x81: {  	(v2sf) =	vpush v1, $0x0;
	_ =	sdelay $0xe  }
0x82: {  	s31 =	spop (v2sf)  }
0x83: {  	s16 =	smul.u32 $0xC, s31;
	_ =	sdelay $0x1  }
0x84: {  	s17 =	sor.u32 $0x2, s16;
	p0 =	sge.s32 s16, s8  }
0x85: {  	p1 =	slt.s32 @!p0 s17, s3  }
0x86: {  	s16 =	simm.s32 $0xD830;
	p1 =	por p1, p0  }
0x87: {  	v1 =	vld @!p1 [tilespmem:s16+$0xFFFFFFD0];
	_ =	sdelay $0x1  }
0x88: {  	s17 =	ssub.s32 @!p1 s17, s3  }
0x89: {  	s17 =	sshll.u32 @!p1 s17, $0x8  }
0x8a: {  	s18 =	sshra.s32 @!p1 s17, $0x2  }
0x8b: {  	[tilespmem:s18+$0x0] =	vst @!p1 v1  }
0x8c: {  	v1 =	vld @!p1 [tilespmem:s16+$0xFFFFFFE0];
	_ =	sdelay $0x4  }
0x8d: {  	[tilespmem:s18+$0x10] =	vst @!p1 v1  }
0x8e: {  	v1 =	vld @!p1 [tilespmem:s16+$0xFFFFFFF0];
	_ =	sdelay $0x4  }
0x8f: {  	[tilespmem:s18+$0x20] =	vst @!p1 v1  }
0x90: {  	s17 =	simm.s32 $0x4;
	v1 =	vld @!p1 [tilespmem:s16+$0x0]  }
.LBB2_8:
0x91: {  	_ =	sdelay $0x3  }
0x92: {  	s19 =	sshra.s32 s17, $0x2;
	s17 =	sadd.s32 $0x4, s17;
	[tilespmem:s18+$0x30] =	vst @!p1 v1  }
0x93: {  	p0 =	sne.s32 s17, $0xA0;
	v1 =	vld [tilespmem:s19+$0x15060];
	_ =	sdelay $0x4  }
0x94: {  	(v2sf) =	vpush v1, $0x0;
	_ =	sdelay $0xe  }
0x95: {  	s18 =	spop (v2sf)  }
0x96: {  	s18 =	smul.u32 $0xC, s18;
	_ =	sdelay $0x1  }
0x97: {  	s19 =	sor.u32 $0x2, s18;
	p1 =	sge.s32 s18, s8  }
0x98: {  	p2 =	slt.s32 @!p1 s19, s3  }
0x99: {  	s16 =	sadd.s32 $0x40, s16;
	p1 =	por p2, p1  }
0x9a: {  	v1 =	vld @!p1 [tilespmem:s16+$0xFFFFFFD0];
	_ =	sdelay $0x1  }
0x9b: {  	s18 =	ssub.s32 @!p1 s19, s3  }
0x9c: {  	s18 =	sshll.u32 @!p1 s18, $0x8  }
0x9d: {  	s18 =	sshra.s32 @!p1 s18, $0x2  }
0x9e: {  	[tilespmem:s18+$0x0] =	vst @!p1 v1  }
0x9f: {  	v1 =	vld @!p1 [tilespmem:s16+$0xFFFFFFE0];
	_ =	sdelay $0x4  }
0xa0: {  	[tilespmem:s18+$0x10] =	vst @!p1 v1  }
0xa1: {  	v1 =	vld @!p1 [tilespmem:s16+$0xFFFFFFF0];
	_ =	sdelay $0x1  }
.Ltmp3:
0xa2: {  	(pc) =	sbr.rel @p0 .LBB2_8-.Ltmp3, $3  }
0xa3: {  	_ =	sdelay $0x1  }
0xa4: {  	[tilespmem:s18+$0x20] =	vst @!p1 v1  }
0xa5: {  	v1 =	vld @!p1 [tilespmem:s16+$0x0]  }
0xa6: {  	_ =	sdelay $0x3  }
0xa7: {  	s16 =	simm.s32 $0x0;
	[tilespmem:s18+$0x30] =	vst @!p1 v1  }
0xa8: {  	v1 =	vld [tilespmem:s16+$0x15090];
	_ =	sdelay $0x4  }
0xa9: {  	(v2sf) =	vpush v1, $0x0;
	_ =	sdelay $0xe  }
0xaa: {  	s31 =	spop (v2sf)  }
0xab: {  	s16 =	smul.u32 $0xC, s31;
	_ =	sdelay $0x1  }
0xac: {  	s17 =	sor.u32 $0x3, s16;
	p0 =	sge.s32 s16, s9  }
0xad: {  	p1 =	slt.s32 @!p0 s17, s3  }
0xae: {  	s16 =	simm.s32 $0xE430;
	p1 =	por p1, p0  }
0xaf: {  	v1 =	vld @!p1 [tilespmem:s16+$0xFFFFFFD0];
	_ =	sdelay $0x2  }
0xb0: {  	s17 =	ssub.s32 @!p1 s17, s3  }
0xb1: {  	s19 =	sshll.u32 @!p1 s17, $0x6  }
0xb2: {  	[tilespmem:s19+$0x0] =	vst @!p1 v1  }
0xb3: {  	v1 =	vld @!p1 [tilespmem:s16+$0xFFFFFFE0];
	_ =	sdelay $0x3  }
0xb4: {  	s17 =	sor.u32 @!p1 $0x50, s19  }
0xb5: {  	[tilespmem:s17+$0x0] =	vst @!p1 v1  }
0xb6: {  	v1 =	vld @!p1 [tilespmem:s16+$0xFFFFFFF0];
	_ =	sdelay $0x3  }
0xb7: {  	s17 =	sor.u32 @!p1 $0x60, s19  }
0xb8: {  	[tilespmem:s17+$0x0] =	vst @!p1 v1  }
0xb9: {  	s18 =	simm.s32 $0x4;
	s19 =	sor.u32 @!p1 $0x70, s19;
	s17 =	simm.s32 $0x8;
	v1 =	vld @!p1 [tilespmem:s16+$0x0]  }
.LBB2_10:
0xba: {  	_ =	sdelay $0x2  }
0xbb: {  	s20 =	sshra.s32 s18, $0x2  }
0xbc: {  	s16 =	sadd.s32 $0x40, s16;
	s18 =	smov.u32 s17;
	s17 =	sadd.s32 $0x4, s17;
	[tilespmem:s19+$0x0] =	vst @!p1 v1  }
0xbd: {  	p0 =	sne.s32 s17, $0xA0;
	v1 =	vld [tilespmem:s20+$0x15090];
	_ =	sdelay $0x4  }
0xbe: {  	(v2sf) =	vpush v1, $0x0;
	_ =	sdelay $0xe  }
0xbf: {  	s19 =	spop (v2sf)  }
0xc0: {  	s19 =	smul.u32 $0xC, s19;
	_ =	sdelay $0x1  }
0xc1: {  	s20 =	sor.u32 $0x3, s19;
	p1 =	sge.s32 s19, s9  }
0xc2: {  	p2 =	slt.s32 @!p1 s20, s3  }
0xc3: {  	p1 =	por p2, p1  }
0xc4: {  	s19 =	ssub.s32 @!p1 s20, s3;
	v1 =	vld @!p1 [tilespmem:s16+$0xFFFFFFD0]  }
0xc5: {  	s20 =	sshll.u32 @!p1 s19, $0x6  }
0xc6: {  	s21 =	sor.u32 @!p1 $0x50, s20;
	s22 =	sor.u32 @!p1 $0x60, s20;
	s19 =	sor.u32 @!p1 $0x70, s20  }
0xc7: {  	_ =	sdelay $0x1  }
0xc8: {  	[tilespmem:s20+$0x0] =	vst @!p1 v1  }
0xc9: {  	v1 =	vld @!p1 [tilespmem:s16+$0xFFFFFFE0];
	_ =	sdelay $0x4  }
0xca: {  	[tilespmem:s21+$0x0] =	vst @!p1 v1  }
0xcb: {  	v1 =	vld @!p1 [tilespmem:s16+$0xFFFFFFF0];
	_ =	sdelay $0x1  }
.Ltmp4:
0xcc: {  	(pc) =	sbr.rel @p0 .LBB2_10-.Ltmp4, $3  }
0xcd: {  	_ =	sdelay $0x1  }
0xce: {  	[tilespmem:s22+$0x0] =	vst @!p1 v1  }
0xcf: {  	v1 =	vld @!p1 [tilespmem:s16+$0x0]  }
0xd0: {  	_ =	sdelay $0x3  }
0xd1: {  	s17 =	sshra.s32 s18, $0x2;
	[tilespmem:s19+$0x0] =	vst @!p1 v1  }
0xd2: {  	v1 =	vld [tilespmem:s17+$0x15090];
	_ =	sdelay $0x4  }
0xd3: {  	(v2sf) =	vpush v1, $0x0;
	_ =	sdelay $0xe  }
0xd4: {  	s29 =	spop (v2sf)  }
0xd5: {  	s17 =	smul.u32 $0xC, s29;
	_ =	sdelay $0x1  }
0xd6: {  	s18 =	sor.u32 $0x3, s17;
	p0 =	sge.s32 s17, s9  }
0xd7: {  	p1 =	slt.s32 @!p0 s18, s3  }
0xd8: {  	s16 =	sadd.s32 $0x40, s16;
	p0 =	por p1, p0  }
0xd9: {  	v1 =	vld @!p0 [tilespmem:s16+$0xFFFFFFD0];
	_ =	sdelay $0x2  }
0xda: {  	s17 =	ssub.s32 @!p0 s18, s3  }
0xdb: {  	s17 =	sshll.u32 @!p0 s17, $0x6  }
0xdc: {  	[tilespmem:s17+$0x0] =	vst @!p0 v1  }
0xdd: {  	v1 =	vld @!p0 [tilespmem:s16+$0xFFFFFFE0];
	_ =	sdelay $0x3  }
0xde: {  	s18 =	sor.u32 @!p0 $0x50, s17  }
0xdf: {  	[tilespmem:s18+$0x0] =	vst @!p0 v1  }
0xe0: {  	v1 =	vld @!p0 [tilespmem:s16+$0xFFFFFFF0];
	_ =	sdelay $0x3  }
0xe1: {  	s18 =	sor.u32 @!p0 $0x60, s17  }
0xe2: {  	[tilespmem:s18+$0x0] =	vst @!p0 v1  }
0xe3: {  	v1 =	vld @!p0 [tilespmem:s16+$0x0];
	_ =	sdelay $0x3  }
0xe4: {  	s16 =	sor.u32 @!p0 $0x70, s17  }
0xe5: {  	s30 =	simm.s32 $0x0;
	[tilespmem:s16+$0x0] =	vst @!p0 v1  }
0xe6: {  	v1 =	vld [tilespmem:s30+$0x150C0];
	_ =	sdelay $0x4  }
0xe7: {  	(v2sf) =	vpush v1, $0x0;
	_ =	sdelay $0xe  }
0xe8: {  	s31 =	spop (v2sf)  }
0xe9: {  	s16 =	smul.u32 $0xC, s31;
	_ =	sdelay $0x1  }
0xea: {  	s17 =	sadd.s32 $0x4, s16  }
0xeb: {  	p0 =	slt.s32 s17, s3  }
0xec: {  	p1 =	sge.s32 @!p0 s17, s6  }
0xed: {  	s16 =	simm.s32 $0xF030;
	p1 =	por p1, p0  }
0xee: {  	v1 =	vld @!p1 [tilespmem:s16+$0xFFFFFFD0];
	_ =	sdelay $0x1  }
0xef: {  	s17 =	ssub.s32 @!p1 s17, s3  }
0xf0: {  	s17 =	sshll.u32 @!p1 s17, $0x8  }
0xf1: {  	s18 =	sshra.s32 @!p1 s17, $0x2  }
0xf2: {  	[tilespmem:s18+$0x0] =	vst @!p1 v1  }
0xf3: {  	v1 =	vld @!p1 [tilespmem:s16+$0xFFFFFFE0];
	_ =	sdelay $0x4  }
0xf4: {  	[tilespmem:s18+$0x10] =	vst @!p1 v1  }
0xf5: {  	v1 =	vld @!p1 [tilespmem:s16+$0xFFFFFFF0];
	_ =	sdelay $0x4  }
0xf6: {  	[tilespmem:s18+$0x20] =	vst @!p1 v1  }
0xf7: {  	s17 =	simm.s32 $0x4;
	v1 =	vld @!p1 [tilespmem:s16+$0x0]  }
.LBB2_12:
0xf8: {  	_ =	sdelay $0x3  }
0xf9: {  	s19 =	sshra.s32 s17, $0x2;
	s17 =	sadd.s32 $0x4, s17;
	[tilespmem:s18+$0x30] =	vst @!p1 v1  }
0xfa: {  	p0 =	sne.s32 s17, $0xA0;
	v1 =	vld [tilespmem:s19+$0x150C0];
	_ =	sdelay $0x4  }
0xfb: {  	(v2sf) =	vpush v1, $0x0;
	_ =	sdelay $0xe  }
0xfc: {  	s18 =	spop (v2sf)  }
0xfd: {  	s18 =	smul.u32 $0xC, s18;
	_ =	sdelay $0x1  }
0xfe: {  	s18 =	sadd.s32 $0x4, s18  }
0xff: {  	p1 =	slt.s32 s18, s3  }
0x100: {  	p2 =	sge.s32 @!p1 s18, s6  }
0x101: {  	s16 =	sadd.s32 $0x40, s16;
	p1 =	por p2, p1  }
0x102: {  	v1 =	vld @!p1 [tilespmem:s16+$0xFFFFFFD0];
	_ =	sdelay $0x1  }
0x103: {  	s18 =	ssub.s32 @!p1 s18, s3  }
0x104: {  	s18 =	sshll.u32 @!p1 s18, $0x8  }
0x105: {  	s18 =	sshra.s32 @!p1 s18, $0x2  }
0x106: {  	[tilespmem:s18+$0x0] =	vst @!p1 v1  }
0x107: {  	v1 =	vld @!p1 [tilespmem:s16+$0xFFFFFFE0];
	_ =	sdelay $0x4  }
0x108: {  	[tilespmem:s18+$0x10] =	vst @!p1 v1  }
0x109: {  	v1 =	vld @!p1 [tilespmem:s16+$0xFFFFFFF0];
	_ =	sdelay $0x1  }
.Ltmp5:
0x10a: {  	(pc) =	sbr.rel @p0 .LBB2_12-.Ltmp5, $3  }
0x10b: {  	_ =	sdelay $0x1  }
0x10c: {  	[tilespmem:s18+$0x20] =	vst @!p1 v1  }
0x10d: {  	v1 =	vld @!p1 [tilespmem:s16+$0x0]  }
0x10e: {  	_ =	sdelay $0x3  }
0x10f: {  	s16 =	simm.s32 $0x0;
	[tilespmem:s18+$0x30] =	vst @!p1 v1  }
0x110: {  	v1 =	vld [tilespmem:s16+$0x150F0];
	_ =	sdelay $0x4  }
0x111: {  	(v2sf) =	vpush v1, $0x0;
	_ =	sdelay $0xe  }
0x112: {  	s31 =	spop (v2sf)  }
0x113: {  	s16 =	smul.u32 $0xC, s31;
	_ =	sdelay $0x1  }
0x114: {  	s17 =	sadd.s32 $0x5, s16  }
0x115: {  	p0 =	slt.s32 s17, s3  }
0x116: {  	p1 =	sge.s32 @!p0 s17, s6  }
0x117: {  	s16 =	simm.s32 $0xFC30;
	p1 =	por p1, p0  }
0x118: {  	v1 =	vld @!p1 [tilespmem:s16+$0xFFFFFFD0];
	_ =	sdelay $0x2  }
0x119: {  	s17 =	ssub.s32 @!p1 s17, s3  }
0x11a: {  	s19 =	sshll.u32 @!p1 s17, $0x6  }
0x11b: {  	[tilespmem:s19+$0x0] =	vst @!p1 v1  }
0x11c: {  	v1 =	vld @!p1 [tilespmem:s16+$0xFFFFFFE0];
	_ =	sdelay $0x3  }
0x11d: {  	s17 =	sor.u32 @!p1 $0x50, s19  }
0x11e: {  	[tilespmem:s17+$0x0] =	vst @!p1 v1  }
0x11f: {  	v1 =	vld @!p1 [tilespmem:s16+$0xFFFFFFF0];
	_ =	sdelay $0x3  }
0x120: {  	s17 =	sor.u32 @!p1 $0x60, s19  }
0x121: {  	[tilespmem:s17+$0x0] =	vst @!p1 v1  }
0x122: {  	s18 =	simm.s32 $0x4;
	s19 =	sor.u32 @!p1 $0x70, s19;
	s17 =	simm.s32 $0x8;
	v1 =	vld @!p1 [tilespmem:s16+$0x0]  }
.LBB2_14:
0x123: {  	_ =	sdelay $0x2  }
0x124: {  	s20 =	sshra.s32 s18, $0x2  }
0x125: {  	s16 =	sadd.s32 $0x40, s16;
	s18 =	smov.u32 s17;
	s17 =	sadd.s32 $0x4, s17;
	[tilespmem:s19+$0x0] =	vst @!p1 v1  }
0x126: {  	p0 =	sne.s32 s17, $0xA0;
	v1 =	vld [tilespmem:s20+$0x150F0];
	_ =	sdelay $0x4  }
0x127: {  	(v2sf) =	vpush v1, $0x0;
	_ =	sdelay $0xe  }
0x128: {  	s19 =	spop (v2sf)  }
0x129: {  	s19 =	smul.u32 $0xC, s19;
	_ =	sdelay $0x1  }
0x12a: {  	s19 =	sadd.s32 $0x5, s19  }
0x12b: {  	p1 =	slt.s32 s19, s3  }
0x12c: {  	p2 =	sge.s32 @!p1 s19, s6  }
0x12d: {  	p1 =	por p2, p1  }
0x12e: {  	s19 =	ssub.s32 @!p1 s19, s3;
	v1 =	vld @!p1 [tilespmem:s16+$0xFFFFFFD0]  }
0x12f: {  	s20 =	sshll.u32 @!p1 s19, $0x6  }
0x130: {  	s21 =	sor.u32 @!p1 $0x50, s20;
	s22 =	sor.u32 @!p1 $0x60, s20;
	s19 =	sor.u32 @!p1 $0x70, s20  }
0x131: {  	_ =	sdelay $0x1  }
0x132: {  	[tilespmem:s20+$0x0] =	vst @!p1 v1  }
0x133: {  	v1 =	vld @!p1 [tilespmem:s16+$0xFFFFFFE0];
	_ =	sdelay $0x4  }
0x134: {  	[tilespmem:s21+$0x0] =	vst @!p1 v1  }
0x135: {  	v1 =	vld @!p1 [tilespmem:s16+$0xFFFFFFF0];
	_ =	sdelay $0x1  }
.Ltmp6:
0x136: {  	(pc) =	sbr.rel @p0 .LBB2_14-.Ltmp6, $3  }
0x137: {  	_ =	sdelay $0x1  }
0x138: {  	[tilespmem:s22+$0x0] =	vst @!p1 v1  }
0x139: {  	v1 =	vld @!p1 [tilespmem:s16+$0x0]  }
0x13a: {  	_ =	sdelay $0x3  }
0x13b: {  	s17 =	sshra.s32 s18, $0x2;
	[tilespmem:s19+$0x0] =	vst @!p1 v1  }
0x13c: {  	v1 =	vld [tilespmem:s17+$0x150F0];
	_ =	sdelay $0x4  }
0x13d: {  	(v2sf) =	vpush v1, $0x0;
	_ =	sdelay $0xe  }
0x13e: {  	s29 =	spop (v2sf)  }
0x13f: {  	s17 =	smul.u32 $0xC, s29;
	_ =	sdelay $0x1  }
0x140: {  	s17 =	sadd.s32 $0x5, s17  }
0x141: {  	p0 =	slt.s32 s17, s3  }
0x142: {  	p1 =	sge.s32 @!p0 s17, s6  }
0x143: {  	s16 =	sadd.s32 $0x40, s16;
	p0 =	por p1, p0  }
0x144: {  	v1 =	vld @!p0 [tilespmem:s16+$0xFFFFFFD0];
	_ =	sdelay $0x2  }
0x145: {  	s17 =	ssub.s32 @!p0 s17, s3  }
0x146: {  	s17 =	sshll.u32 @!p0 s17, $0x6  }
0x147: {  	[tilespmem:s17+$0x0] =	vst @!p0 v1  }
0x148: {  	v1 =	vld @!p0 [tilespmem:s16+$0xFFFFFFE0];
	_ =	sdelay $0x3  }
0x149: {  	s18 =	sor.u32 @!p0 $0x50, s17  }
0x14a: {  	[tilespmem:s18+$0x0] =	vst @!p0 v1  }
0x14b: {  	v1 =	vld @!p0 [tilespmem:s16+$0xFFFFFFF0];
	_ =	sdelay $0x3  }
0x14c: {  	s18 =	sor.u32 @!p0 $0x60, s17  }
0x14d: {  	[tilespmem:s18+$0x0] =	vst @!p0 v1  }
0x14e: {  	v1 =	vld @!p0 [tilespmem:s16+$0x0];
	_ =	sdelay $0x3  }
0x14f: {  	s16 =	sor.u32 @!p0 $0x70, s17  }
0x150: {  	s30 =	simm.s32 $0x0;
	[tilespmem:s16+$0x0] =	vst @!p0 v1  }
0x151: {  	v1 =	vld [tilespmem:s30+$0x15120];
	_ =	sdelay $0x4  }
0x152: {  	(v2sf) =	vpush v1, $0x0;
	_ =	sdelay $0xe  }
0x153: {  	s31 =	spop (v2sf)  }
0x154: {  	s16 =	smul.u32 $0xC, s31;
	_ =	sdelay $0x1  }
0x155: {  	s17 =	sadd.s32 $0x6, s16  }
0x156: {  	p0 =	slt.s32 s17, s3  }
0x157: {  	p1 =	sge.s32 @!p0 s17, s6  }
0x158: {  	s16 =	simm.s32 $0x10800;
	p1 =	por p1, p0  }
0x159: {  	v1 =	vld @!p1 [tilespmem:s16+$0x0];
	_ =	sdelay $0x1  }
0x15a: {  	s17 =	ssub.s32 @!p1 s17, s3  }
0x15b: {  	s17 =	sshll.u32 @!p1 s17, $0x8  }
0x15c: {  	s18 =	sshra.s32 @!p1 s17, $0x2  }
0x15d: {  	[tilespmem:s18+$0x0] =	vst @!p1 v1  }
0x15e: {  	v1 =	vld @!p1 [tilespmem:s16+$0x10];
	_ =	sdelay $0x4  }
0x15f: {  	[tilespmem:s18+$0x10] =	vst @!p1 v1  }
0x160: {  	v1 =	vld @!p1 [tilespmem:s16+$0x20];
	_ =	sdelay $0x4  }
0x161: {  	[tilespmem:s18+$0x20] =	vst @!p1 v1  }
0x162: {  	s17 =	simm.s32 $0x4;
	v1 =	vld @!p1 [tilespmem:s16+$0x30]  }
.LBB2_16:
0x163: {  	_ =	sdelay $0x3  }
0x164: {  	s19 =	sshra.s32 s17, $0x2;
	s17 =	sadd.s32 $0x4, s17;
	[tilespmem:s18+$0x30] =	vst @!p1 v1  }
0x165: {  	p0 =	sne.s32 s17, $0xA0;
	v1 =	vld [tilespmem:s19+$0x15120];
	_ =	sdelay $0x4  }
0x166: {  	(v2sf) =	vpush v1, $0x0;
	_ =	sdelay $0xe  }
0x167: {  	s18 =	spop (v2sf)  }
0x168: {  	s18 =	smul.u32 $0xC, s18;
	_ =	sdelay $0x1  }
0x169: {  	s18 =	sadd.s32 $0x6, s18  }
0x16a: {  	p1 =	slt.s32 s18, s3  }
0x16b: {  	p2 =	sge.s32 @!p1 s18, s6  }
0x16c: {  	s16 =	sadd.s32 $0x40, s16;
	p1 =	por p2, p1  }
0x16d: {  	v1 =	vld @!p1 [tilespmem:s16+$0x0];
	_ =	sdelay $0x1  }
0x16e: {  	s18 =	ssub.s32 @!p1 s18, s3  }
0x16f: {  	s18 =	sshll.u32 @!p1 s18, $0x8  }
0x170: {  	s18 =	sshra.s32 @!p1 s18, $0x2  }
0x171: {  	[tilespmem:s18+$0x0] =	vst @!p1 v1  }
0x172: {  	v1 =	vld @!p1 [tilespmem:s16+$0x10];
	_ =	sdelay $0x4  }
0x173: {  	[tilespmem:s18+$0x10] =	vst @!p1 v1  }
0x174: {  	v1 =	vld @!p1 [tilespmem:s16+$0x20];
	_ =	sdelay $0x1  }
.Ltmp7:
0x175: {  	(pc) =	sbr.rel @p0 .LBB2_16-.Ltmp7, $3  }
0x176: {  	_ =	sdelay $0x1  }
0x177: {  	[tilespmem:s18+$0x20] =	vst @!p1 v1  }
0x178: {  	v1 =	vld @!p1 [tilespmem:s16+$0x30]  }
0x179: {  	_ =	sdelay $0x3  }
0x17a: {  	s16 =	simm.s32 $0x0;
	[tilespmem:s18+$0x30] =	vst @!p1 v1  }
0x17b: {  	v1 =	vld [tilespmem:s16+$0x15150];
	_ =	sdelay $0x4  }
0x17c: {  	(v2sf) =	vpush v1, $0x0;
	_ =	sdelay $0xe  }
0x17d: {  	s31 =	spop (v2sf)  }
0x17e: {  	s16 =	smul.u32 $0xC, s31;
	_ =	sdelay $0x1  }
0x17f: {  	s17 =	sadd.s32 $0x7, s16  }
0x180: {  	p0 =	slt.s32 s17, s3  }
0x181: {  	p1 =	sge.s32 @!p0 s17, s6  }
0x182: {  	s16 =	simm.s32 $0x11400;
	p1 =	por p1, p0  }
0x183: {  	v1 =	vld @!p1 [tilespmem:s16+$0x0];
	_ =	sdelay $0x2  }
0x184: {  	s17 =	ssub.s32 @!p1 s17, s3  }
0x185: {  	s19 =	sshll.u32 @!p1 s17, $0x6  }
0x186: {  	[tilespmem:s19+$0x0] =	vst @!p1 v1  }
0x187: {  	v1 =	vld @!p1 [tilespmem:s16+$0x10];
	_ =	sdelay $0x3  }
0x188: {  	s17 =	sor.u32 @!p1 $0x50, s19  }
0x189: {  	[tilespmem:s17+$0x0] =	vst @!p1 v1  }
0x18a: {  	v1 =	vld @!p1 [tilespmem:s16+$0x20];
	_ =	sdelay $0x3  }
0x18b: {  	s17 =	sor.u32 @!p1 $0x60, s19  }
0x18c: {  	[tilespmem:s17+$0x0] =	vst @!p1 v1  }
0x18d: {  	s18 =	simm.s32 $0x4;
	s19 =	sor.u32 @!p1 $0x70, s19;
	s17 =	simm.s32 $0x8;
	v1 =	vld @!p1 [tilespmem:s16+$0x30]  }
.LBB2_18:
0x18e: {  	_ =	sdelay $0x2  }
0x18f: {  	s20 =	sshra.s32 s18, $0x2  }
0x190: {  	s16 =	sadd.s32 $0x40, s16;
	s18 =	smov.u32 s17;
	s17 =	sadd.s32 $0x4, s17;
	[tilespmem:s19+$0x0] =	vst @!p1 v1  }
0x191: {  	p0 =	sne.s32 s17, $0xA0;
	v1 =	vld [tilespmem:s20+$0x15150];
	_ =	sdelay $0x4  }
0x192: {  	(v2sf) =	vpush v1, $0x0;
	_ =	sdelay $0xe  }
0x193: {  	s19 =	spop (v2sf)  }
0x194: {  	s19 =	smul.u32 $0xC, s19;
	_ =	sdelay $0x1  }
0x195: {  	s19 =	sadd.s32 $0x7, s19  }
0x196: {  	p1 =	slt.s32 s19, s3  }
0x197: {  	p2 =	sge.s32 @!p1 s19, s6  }
0x198: {  	p1 =	por p2, p1  }
0x199: {  	s19 =	ssub.s32 @!p1 s19, s3;
	v1 =	vld @!p1 [tilespmem:s16+$0x0]  }
0x19a: {  	s20 =	sshll.u32 @!p1 s19, $0x6  }
0x19b: {  	s21 =	sor.u32 @!p1 $0x50, s20;
	s22 =	sor.u32 @!p1 $0x60, s20;
	s19 =	sor.u32 @!p1 $0x70, s20  }
0x19c: {  	_ =	sdelay $0x1  }
0x19d: {  	[tilespmem:s20+$0x0] =	vst @!p1 v1  }
0x19e: {  	v1 =	vld @!p1 [tilespmem:s16+$0x10];
	_ =	sdelay $0x4  }
0x19f: {  	[tilespmem:s21+$0x0] =	vst @!p1 v1  }
0x1a0: {  	v1 =	vld @!p1 [tilespmem:s16+$0x20];
	_ =	sdelay $0x1  }
.Ltmp8:
0x1a1: {  	(pc) =	sbr.rel @p0 .LBB2_18-.Ltmp8, $3  }
0x1a2: {  	_ =	sdelay $0x1  }
0x1a3: {  	[tilespmem:s22+$0x0] =	vst @!p1 v1  }
0x1a4: {  	v1 =	vld @!p1 [tilespmem:s16+$0x30]  }
0x1a5: {  	_ =	sdelay $0x3  }
0x1a6: {  	s17 =	sshra.s32 s18, $0x2;
	[tilespmem:s19+$0x0] =	vst @!p1 v1  }
0x1a7: {  	v1 =	vld [tilespmem:s17+$0x15150];
	_ =	sdelay $0x4  }
0x1a8: {  	(v2sf) =	vpush v1, $0x0;
	_ =	sdelay $0xe  }
0x1a9: {  	s29 =	spop (v2sf)  }
0x1aa: {  	s17 =	smul.u32 $0xC, s29;
	_ =	sdelay $0x1  }
0x1ab: {  	s17 =	sadd.s32 $0x7, s17  }
0x1ac: {  	p0 =	slt.s32 s17, s3  }
0x1ad: {  	p1 =	sge.s32 @!p0 s17, s6  }
0x1ae: {  	s16 =	sadd.s32 $0x40, s16;
	p0 =	por p1, p0  }
0x1af: {  	v1 =	vld @!p0 [tilespmem:s16+$0x0];
	_ =	sdelay $0x2  }
0x1b0: {  	s17 =	ssub.s32 @!p0 s17, s3  }
0x1b1: {  	s17 =	sshll.u32 @!p0 s17, $0x6  }
0x1b2: {  	[tilespmem:s17+$0x0] =	vst @!p0 v1  }
0x1b3: {  	v1 =	vld @!p0 [tilespmem:s16+$0x10];
	_ =	sdelay $0x3  }
0x1b4: {  	s18 =	sor.u32 @!p0 $0x50, s17  }
0x1b5: {  	[tilespmem:s18+$0x0] =	vst @!p0 v1  }
0x1b6: {  	v1 =	vld @!p0 [tilespmem:s16+$0x20];
	_ =	sdelay $0x3  }
0x1b7: {  	s18 =	sor.u32 @!p0 $0x60, s17  }
0x1b8: {  	[tilespmem:s18+$0x0] =	vst @!p0 v1  }
0x1b9: {  	v1 =	vld @!p0 [tilespmem:s16+$0x30];
	_ =	sdelay $0x3  }
0x1ba: {  	s16 =	sor.u32 @!p0 $0x70, s17  }
0x1bb: {  	s30 =	simm.s32 $0x0;
	[tilespmem:s16+$0x0] =	vst @!p0 v1  }
0x1bc: {  	v1 =	vld [tilespmem:s30+$0x15180];
	_ =	sdelay $0x4  }
0x1bd: {  	(v2sf) =	vpush v1, $0x0;
	_ =	sdelay $0xe  }
0x1be: {  	s31 =	spop (v2sf)  }
0x1bf: {  	s16 =	smul.u32 $0xC, s31;
	_ =	sdelay $0x1  }
0x1c0: {  	s17 =	sadd.s32 $0x8, s16  }
0x1c1: {  	p0 =	slt.s32 s17, s3  }
0x1c2: {  	p1 =	sge.s32 @!p0 s17, s6  }
0x1c3: {  	s16 =	simm.s32 $0x12000;
	p1 =	por p1, p0  }
0x1c4: {  	v1 =	vld @!p1 [tilespmem:s16+$0x0];
	_ =	sdelay $0x1  }
0x1c5: {  	s17 =	ssub.s32 @!p1 s17, s3  }
0x1c6: {  	s17 =	sshll.u32 @!p1 s17, $0x8  }
0x1c7: {  	s18 =	sshra.s32 @!p1 s17, $0x2  }
0x1c8: {  	[tilespmem:s18+$0x0] =	vst @!p1 v1  }
0x1c9: {  	v1 =	vld @!p1 [tilespmem:s16+$0x10];
	_ =	sdelay $0x4  }
0x1ca: {  	[tilespmem:s18+$0x10] =	vst @!p1 v1  }
0x1cb: {  	v1 =	vld @!p1 [tilespmem:s16+$0x20];
	_ =	sdelay $0x4  }
0x1cc: {  	[tilespmem:s18+$0x20] =	vst @!p1 v1  }
0x1cd: {  	s17 =	simm.s32 $0x4;
	v1 =	vld @!p1 [tilespmem:s16+$0x30]  }
.LBB2_20:
0x1ce: {  	_ =	sdelay $0x3  }
0x1cf: {  	s19 =	sshra.s32 s17, $0x2;
	s17 =	sadd.s32 $0x4, s17;
	[tilespmem:s18+$0x30] =	vst @!p1 v1  }
0x1d0: {  	p0 =	sne.s32 s17, $0xA0;
	v1 =	vld [tilespmem:s19+$0x15180];
	_ =	sdelay $0x4  }
0x1d1: {  	(v2sf) =	vpush v1, $0x0;
	_ =	sdelay $0xe  }
0x1d2: {  	s18 =	spop (v2sf)  }
0x1d3: {  	s18 =	smul.u32 $0xC, s18;
	_ =	sdelay $0x1  }
0x1d4: {  	s18 =	sadd.s32 $0x8, s18  }
0x1d5: {  	p1 =	slt.s32 s18, s3  }
0x1d6: {  	p2 =	sge.s32 @!p1 s18, s6  }
0x1d7: {  	s16 =	sadd.s32 $0x40, s16;
	p1 =	por p2, p1  }
0x1d8: {  	v1 =	vld @!p1 [tilespmem:s16+$0x0];
	_ =	sdelay $0x1  }
0x1d9: {  	s18 =	ssub.s32 @!p1 s18, s3  }
0x1da: {  	s18 =	sshll.u32 @!p1 s18, $0x8  }
0x1db: {  	s18 =	sshra.s32 @!p1 s18, $0x2  }
0x1dc: {  	[tilespmem:s18+$0x0] =	vst @!p1 v1  }
0x1dd: {  	v1 =	vld @!p1 [tilespmem:s16+$0x10];
	_ =	sdelay $0x4  }
0x1de: {  	[tilespmem:s18+$0x10] =	vst @!p1 v1  }
0x1df: {  	v1 =	vld @!p1 [tilespmem:s16+$0x20];
	_ =	sdelay $0x1  }
.Ltmp9:
0x1e0: {  	(pc) =	sbr.rel @p0 .LBB2_20-.Ltmp9, $3  }
0x1e1: {  	_ =	sdelay $0x1  }
0x1e2: {  	[tilespmem:s18+$0x20] =	vst @!p1 v1  }
0x1e3: {  	v1 =	vld @!p1 [tilespmem:s16+$0x30]  }
0x1e4: {  	_ =	sdelay $0x3  }
0x1e5: {  	s16 =	simm.s32 $0x0;
	[tilespmem:s18+$0x30] =	vst @!p1 v1  }
0x1e6: {  	v1 =	vld [tilespmem:s16+$0x151B0];
	_ =	sdelay $0x4  }
0x1e7: {  	(v2sf) =	vpush v1, $0x0;
	_ =	sdelay $0xe  }
0x1e8: {  	s31 =	spop (v2sf)  }
0x1e9: {  	s16 =	smul.u32 $0xC, s31;
	_ =	sdelay $0x1  }
0x1ea: {  	s17 =	sadd.s32 $0x9, s16  }
0x1eb: {  	p0 =	slt.s32 s17, s3  }
0x1ec: {  	p1 =	sge.s32 @!p0 s17, s6  }
0x1ed: {  	s16 =	simm.s32 $0x12C00;
	p1 =	por p1, p0  }
0x1ee: {  	v1 =	vld @!p1 [tilespmem:s16+$0x0];
	_ =	sdelay $0x2  }
0x1ef: {  	s17 =	ssub.s32 @!p1 s17, s3  }
0x1f0: {  	s19 =	sshll.u32 @!p1 s17, $0x6  }
0x1f1: {  	[tilespmem:s19+$0x0] =	vst @!p1 v1  }
0x1f2: {  	v1 =	vld @!p1 [tilespmem:s16+$0x10];
	_ =	sdelay $0x3  }
0x1f3: {  	s17 =	sor.u32 @!p1 $0x50, s19  }
0x1f4: {  	[tilespmem:s17+$0x0] =	vst @!p1 v1  }
0x1f5: {  	v1 =	vld @!p1 [tilespmem:s16+$0x20];
	_ =	sdelay $0x3  }
0x1f6: {  	s17 =	sor.u32 @!p1 $0x60, s19  }
0x1f7: {  	[tilespmem:s17+$0x0] =	vst @!p1 v1  }
0x1f8: {  	s18 =	simm.s32 $0x4;
	s19 =	sor.u32 @!p1 $0x70, s19;
	s17 =	simm.s32 $0x8;
	v1 =	vld @!p1 [tilespmem:s16+$0x30]  }
.LBB2_22:
0x1f9: {  	_ =	sdelay $0x2  }
0x1fa: {  	s20 =	sshra.s32 s18, $0x2  }
0x1fb: {  	s16 =	sadd.s32 $0x40, s16;
	s18 =	smov.u32 s17;
	s17 =	sadd.s32 $0x4, s17;
	[tilespmem:s19+$0x0] =	vst @!p1 v1  }
0x1fc: {  	p0 =	sne.s32 s17, $0xA0;
	v1 =	vld [tilespmem:s20+$0x151B0];
	_ =	sdelay $0x4  }
0x1fd: {  	(v2sf) =	vpush v1, $0x0;
	_ =	sdelay $0xe  }
0x1fe: {  	s19 =	spop (v2sf)  }
0x1ff: {  	s19 =	smul.u32 $0xC, s19;
	_ =	sdelay $0x1  }
0x200: {  	s19 =	sadd.s32 $0x9, s19  }
0x201: {  	p1 =	slt.s32 s19, s3  }
0x202: {  	p2 =	sge.s32 @!p1 s19, s6  }
0x203: {  	p1 =	por p2, p1  }
0x204: {  	s19 =	ssub.s32 @!p1 s19, s3;
	v1 =	vld @!p1 [tilespmem:s16+$0x0]  }
0x205: {  	s20 =	sshll.u32 @!p1 s19, $0x6  }
0x206: {  	s21 =	sor.u32 @!p1 $0x50, s20;
	s22 =	sor.u32 @!p1 $0x60, s20;
	s19 =	sor.u32 @!p1 $0x70, s20  }
0x207: {  	_ =	sdelay $0x1  }
0x208: {  	[tilespmem:s20+$0x0] =	vst @!p1 v1  }
0x209: {  	v1 =	vld @!p1 [tilespmem:s16+$0x10];
	_ =	sdelay $0x4  }
0x20a: {  	[tilespmem:s21+$0x0] =	vst @!p1 v1  }
0x20b: {  	v1 =	vld @!p1 [tilespmem:s16+$0x20];
	_ =	sdelay $0x1  }
.Ltmp10:
0x20c: {  	(pc) =	sbr.rel @p0 .LBB2_22-.Ltmp10, $3  }
0x20d: {  	_ =	sdelay $0x1  }
0x20e: {  	[tilespmem:s22+$0x0] =	vst @!p1 v1  }
0x20f: {  	v1 =	vld @!p1 [tilespmem:s16+$0x30]  }
0x210: {  	_ =	sdelay $0x3  }
0x211: {  	s17 =	sshra.s32 s18, $0x2;
	[tilespmem:s19+$0x0] =	vst @!p1 v1  }
0x212: {  	v1 =	vld [tilespmem:s17+$0x151B0];
	_ =	sdelay $0x4  }
0x213: {  	(v2sf) =	vpush v1, $0x0;
	_ =	sdelay $0xe  }
0x214: {  	s29 =	spop (v2sf)  }
0x215: {  	s17 =	smul.u32 $0xC, s29;
	_ =	sdelay $0x1  }
0x216: {  	s17 =	sadd.s32 $0x9, s17  }
0x217: {  	p0 =	slt.s32 s17, s3  }
0x218: {  	p1 =	sge.s32 @!p0 s17, s6  }
0x219: {  	s16 =	sadd.s32 $0x40, s16;
	p0 =	por p1, p0  }
0x21a: {  	v1 =	vld @!p0 [tilespmem:s16+$0x0];
	_ =	sdelay $0x2  }
0x21b: {  	s17 =	ssub.s32 @!p0 s17, s3  }
0x21c: {  	s17 =	sshll.u32 @!p0 s17, $0x6  }
0x21d: {  	[tilespmem:s17+$0x0] =	vst @!p0 v1  }
0x21e: {  	v1 =	vld @!p0 [tilespmem:s16+$0x10];
	_ =	sdelay $0x3  }
0x21f: {  	s18 =	sor.u32 @!p0 $0x50, s17  }
0x220: {  	[tilespmem:s18+$0x0] =	vst @!p0 v1  }
0x221: {  	v1 =	vld @!p0 [tilespmem:s16+$0x20];
	_ =	sdelay $0x3  }
0x222: {  	s18 =	sor.u32 @!p0 $0x60, s17  }
0x223: {  	[tilespmem:s18+$0x0] =	vst @!p0 v1  }
0x224: {  	v1 =	vld @!p0 [tilespmem:s16+$0x30];
	_ =	sdelay $0x3  }
0x225: {  	s16 =	sor.u32 @!p0 $0x70, s17  }
0x226: {  	s30 =	simm.s32 $0x0;
	[tilespmem:s16+$0x0] =	vst @!p0 v1  }
0x227: {  	v1 =	vld [tilespmem:s30+$0x151E0];
	_ =	sdelay $0x4  }
0x228: {  	(v2sf) =	vpush v1, $0x0;
	_ =	sdelay $0xe  }
0x229: {  	s31 =	spop (v2sf)  }
0x22a: {  	s16 =	smul.u32 $0xC, s31;
	_ =	sdelay $0x1  }
0x22b: {  	s17 =	sadd.s32 $0xA, s16  }
0x22c: {  	p0 =	slt.s32 s17, s3  }
0x22d: {  	p1 =	sge.s32 @!p0 s17, s6  }
0x22e: {  	s16 =	simm.s32 $0x13800;
	p1 =	por p1, p0  }
0x22f: {  	v1 =	vld @!p1 [tilespmem:s16+$0x0];
	_ =	sdelay $0x1  }
0x230: {  	s17 =	ssub.s32 @!p1 s17, s3  }
0x231: {  	s17 =	sshll.u32 @!p1 s17, $0x8  }
0x232: {  	s18 =	sshra.s32 @!p1 s17, $0x2  }
0x233: {  	[tilespmem:s18+$0x0] =	vst @!p1 v1  }
0x234: {  	v1 =	vld @!p1 [tilespmem:s16+$0x10];
	_ =	sdelay $0x4  }
0x235: {  	[tilespmem:s18+$0x10] =	vst @!p1 v1  }
0x236: {  	v1 =	vld @!p1 [tilespmem:s16+$0x20];
	_ =	sdelay $0x4  }
0x237: {  	[tilespmem:s18+$0x20] =	vst @!p1 v1  }
0x238: {  	s17 =	simm.s32 $0x4;
	v1 =	vld @!p1 [tilespmem:s16+$0x30]  }
.LBB2_24:
0x239: {  	_ =	sdelay $0x3  }
0x23a: {  	s19 =	sshra.s32 s17, $0x2;
	s17 =	sadd.s32 $0x4, s17;
	[tilespmem:s18+$0x30] =	vst @!p1 v1  }
0x23b: {  	p0 =	sne.s32 s17, $0xA0;
	v1 =	vld [tilespmem:s19+$0x151E0];
	_ =	sdelay $0x4  }
0x23c: {  	(v2sf) =	vpush v1, $0x0;
	_ =	sdelay $0xe  }
0x23d: {  	s18 =	spop (v2sf)  }
0x23e: {  	s18 =	smul.u32 $0xC, s18;
	_ =	sdelay $0x1  }
0x23f: {  	s18 =	sadd.s32 $0xA, s18  }
0x240: {  	p1 =	slt.s32 s18, s3  }
0x241: {  	p2 =	sge.s32 @!p1 s18, s6  }
0x242: {  	s16 =	sadd.s32 $0x40, s16;
	p1 =	por p2, p1  }
0x243: {  	v1 =	vld @!p1 [tilespmem:s16+$0x0];
	_ =	sdelay $0x1  }
0x244: {  	s18 =	ssub.s32 @!p1 s18, s3  }
0x245: {  	s18 =	sshll.u32 @!p1 s18, $0x8  }
0x246: {  	s18 =	sshra.s32 @!p1 s18, $0x2  }
0x247: {  	[tilespmem:s18+$0x0] =	vst @!p1 v1  }
0x248: {  	v1 =	vld @!p1 [tilespmem:s16+$0x10];
	_ =	sdelay $0x4  }
0x249: {  	[tilespmem:s18+$0x10] =	vst @!p1 v1  }
0x24a: {  	v1 =	vld @!p1 [tilespmem:s16+$0x20];
	_ =	sdelay $0x1  }
.Ltmp11:
0x24b: {  	(pc) =	sbr.rel @p0 .LBB2_24-.Ltmp11, $3  }
0x24c: {  	_ =	sdelay $0x1  }
0x24d: {  	[tilespmem:s18+$0x20] =	vst @!p1 v1  }
0x24e: {  	v1 =	vld @!p1 [tilespmem:s16+$0x30]  }
0x24f: {  	_ =	sdelay $0x3  }
0x250: {  	s16 =	simm.s32 $0x0;
	[tilespmem:s18+$0x30] =	vst @!p1 v1  }
0x251: {  	v1 =	vld [tilespmem:s16+$0x15210];
	_ =	sdelay $0x4  }
0x252: {  	(v2sf) =	vpush v1, $0x0;
	_ =	sdelay $0xe  }
0x253: {  	s31 =	spop (v2sf)  }
0x254: {  	s16 =	smul.u32 $0xC, s31;
	_ =	sdelay $0x1  }
0x255: {  	s17 =	sadd.s32 $0xB, s16  }
0x256: {  	p0 =	slt.s32 s17, s3  }
0x257: {  	p1 =	sge.s32 @!p0 s17, s6  }
0x258: {  	s16 =	simm.s32 $0x14400;
	p1 =	por p1, p0  }
0x259: {  	v1 =	vld @!p1 [tilespmem:s16+$0x0];
	_ =	sdelay $0x2  }
0x25a: {  	s17 =	ssub.s32 @!p1 s17, s3  }
0x25b: {  	s19 =	sshll.u32 @!p1 s17, $0x6  }
0x25c: {  	[tilespmem:s19+$0x0] =	vst @!p1 v1  }
0x25d: {  	v1 =	vld @!p1 [tilespmem:s16+$0x10];
	_ =	sdelay $0x3  }
0x25e: {  	s17 =	sor.u32 @!p1 $0x50, s19  }
0x25f: {  	[tilespmem:s17+$0x0] =	vst @!p1 v1  }
0x260: {  	v1 =	vld @!p1 [tilespmem:s16+$0x20];
	_ =	sdelay $0x3  }
0x261: {  	s17 =	sor.u32 @!p1 $0x60, s19  }
0x262: {  	[tilespmem:s17+$0x0] =	vst @!p1 v1  }
0x263: {  	s18 =	simm.s32 $0x4;
	s19 =	sor.u32 @!p1 $0x70, s19;
	s17 =	simm.s32 $0x8;
	v1 =	vld @!p1 [tilespmem:s16+$0x30]  }
.LBB2_26:
0x264: {  	_ =	sdelay $0x2  }
0x265: {  	s20 =	sshra.s32 s18, $0x2  }
0x266: {  	s16 =	sadd.s32 $0x40, s16;
	s18 =	smov.u32 s17;
	s17 =	sadd.s32 $0x4, s17;
	[tilespmem:s19+$0x0] =	vst @!p1 v1  }
0x267: {  	p0 =	sne.s32 s17, $0xA0;
	v1 =	vld [tilespmem:s20+$0x15210];
	_ =	sdelay $0x4  }
0x268: {  	(v2sf) =	vpush v1, $0x0;
	_ =	sdelay $0xe  }
0x269: {  	s19 =	spop (v2sf)  }
0x26a: {  	s19 =	smul.u32 $0xC, s19;
	_ =	sdelay $0x1  }
0x26b: {  	s19 =	sadd.s32 $0xB, s19  }
0x26c: {  	p1 =	slt.s32 s19, s3  }
0x26d: {  	p2 =	sge.s32 @!p1 s19, s6  }
0x26e: {  	p1 =	por p2, p1  }
0x26f: {  	s19 =	ssub.s32 @!p1 s19, s3;
	v1 =	vld @!p1 [tilespmem:s16+$0x0]  }
0x270: {  	s20 =	sshll.u32 @!p1 s19, $0x6  }
0x271: {  	s21 =	sor.u32 @!p1 $0x50, s20;
	s22 =	sor.u32 @!p1 $0x60, s20;
	s19 =	sor.u32 @!p1 $0x70, s20  }
0x272: {  	_ =	sdelay $0x1  }
0x273: {  	[tilespmem:s20+$0x0] =	vst @!p1 v1  }
0x274: {  	v1 =	vld @!p1 [tilespmem:s16+$0x10];
	_ =	sdelay $0x4  }
0x275: {  	[tilespmem:s21+$0x0] =	vst @!p1 v1  }
0x276: {  	v1 =	vld @!p1 [tilespmem:s16+$0x20];
	_ =	sdelay $0x1  }
.Ltmp12:
0x277: {  	(pc) =	sbr.rel @p0 .LBB2_26-.Ltmp12, $3  }
0x278: {  	_ =	sdelay $0x1  }
0x279: {  	[tilespmem:s22+$0x0] =	vst @!p1 v1  }
0x27a: {  	v1 =	vld @!p1 [tilespmem:s16+$0x30]  }
0x27b: {  	_ =	sdelay $0x3  }
0x27c: {  	s17 =	sshra.s32 s18, $0x2;
	[tilespmem:s19+$0x0] =	vst @!p1 v1  }
0x27d: {  	v1 =	vld [tilespmem:s17+$0x15210];
	_ =	sdelay $0x4  }
0x27e: {  	(v2sf) =	vpush v1, $0x0;
	_ =	sdelay $0xe  }
0x27f: {  	s31 =	spop (v2sf)  }
0x280: {  	s17 =	smul.u32 $0xC, s31;
	_ =	sdelay $0x1  }
0x281: {  	s17 =	sadd.s32 $0xB, s17  }
0x282: {  	p0 =	slt.s32 s17, s3  }
0x283: {  	p1 =	sge.s32 @!p0 s17, s6  }
0x284: {  	s16 =	sadd.s32 $0x40, s16;
	p0 =	por p1, p0  }
0x285: {  	v1 =	vld @!p0 [tilespmem:s16+$0x0];
	_ =	sdelay $0x2  }
0x286: {  	s17 =	ssub.s32 @!p0 s17, s3  }
0x287: {  	s17 =	sshll.u32 @!p0 s17, $0x6  }
0x288: {  	[tilespmem:s17+$0x0] =	vst @!p0 v1  }
0x289: {  	v1 =	vld @!p0 [tilespmem:s16+$0x10];
	_ =	sdelay $0x3  }
0x28a: {  	s18 =	sor.u32 @!p0 $0x50, s17  }
0x28b: {  	[tilespmem:s18+$0x0] =	vst @!p0 v1  }
0x28c: {  	v1 =	vld @!p0 [tilespmem:s16+$0x20];
	_ =	sdelay $0x3  }
0x28d: {  	s18 =	sor.u32 @!p0 $0x60, s17  }
0x28e: {  	[tilespmem:s18+$0x0] =	vst @!p0 v1  }
0x28f: {  	v1 =	vld @!p0 [tilespmem:s16+$0x30];
	_ =	sdelay $0x3  }
0x290: {  	s15 =	sadd.s32 $0x1, s15;
	s16 =	sor.u32 @!p0 $0x70, s17  }
0x291: {  	[tilespmem:s16+$0x0] =	vst @!p0 v1;
	p0 =	sne.s32 s15, s11  }
.Ltmp13:
0x292: {  	_ = 	snop;
	(pc) =	sbr.rel @p0 .LBB2_1-.Ltmp13, $4  }
0x293: {  	[hbm4b:s10+s2] =	stream.linear.scatter [tilespmem:s2], [sflag:$0x1], $0xC000, $0x38;
	[tilespmem:$0x15280] =	vst v63  }
0x294: {  	_ =	swait.ge [sflag:s13], $0xC000  }
0x295: {  	[sflag:s13] =	ssyncset.done $0x0  }
0x296: {  	[sflag:s13] =	ssyncadd.s32 $0xFFFF4000  }
0x297: {  	_ =	sfence.sel $0x180000  }
0x298: {  	[bflag:$0x0] =	sbarrier.arrive $0xFFFF  }
0x299: {  	p0 =	sne.s32 s1, $0x0;
	_ =	strace $0x9000004A  }
0x29a: {  	s0 =	sadd.s32 @!p0 $0x100000, s0;
	[bflag:$0x2] =	sbarrier.arrive $0xFFFF  }
0x29b: {  	[sflag:s0] =	ssyncadd.tile.s32 @!p0 $0x1;
	_ =	shalt  }
.Lfunc_end2:
_tile_overlayer_lowered:
.L_overlay_start_2:
0x29c: {  	(tag) =	ssettag $0x2  }
0x29d: {  	s0 =	rddreg [dreg:$0x0];
	s2 =	stileid.u32  }
0x29e: {  	s1 =	rddreg [dreg:$0x1];
	p0 =	sne.s32 s2, $0x0  }
0x29f: {  	s3 =	rddreg [dreg:$0x2];
	[bflag:$0x3] =	sbarrier.arrive $0xFFFF;
	s2 =	simm.s32 @!p0 $0x1C01  }
0x2a0: {  	[timem:s3], [sflag:s2] =	dma.local @!p0 [hbm:s0], s1  }
0x2a1: {  	s0 =	simm.s32 @!p0 $0x1  }
0x2a2: {  	_ =	swait.ge @!p0 [sflag:s0], s1  }
0x2a3: {  	s1 =	ssub.s32 @!p0 $0x0, s1;
	[sflag:s0] =	ssyncset.done @!p0 $0x0  }
0x2a4: {  	[sflag:s0] =	ssyncadd.s32 @!p0 s1  }
0x2a5: {  	[bflag:$0x3] =	sbarrier.arrive $0xFFFF  }
0x2a6: {  	_ =	shalt  }

</sc_bundles>
